<compile_context>
chip_gen: v7x
topology: tpu7x:2x2x1
jax: 0.10.2.dev20260603
libtpu: 0.0.44.dev20260713+nightly
codegen_flags: <defaults>
</compile_context>

<pallas_src>
import functools

import jax
import jax.numpy as jnp
from jax import lax
from jax.experimental import pallas as pl
from jax.experimental.pallas import tpu as pltpu
from jax.experimental.pallas import tpu_sc as plsc

_NC = 2
_NS = 16
_L = 16
_NW = _NC * _NS

_B = 128


def _xlen(F):
    return ((_B * F + 7 + _L + 7) // 8) * 8


def _sc_body(x_hbm, tab_hbm, out_hbm, tab_v, out_vs, xb_vs, sems, *,
             F, V, D, N):
    wid = lax.axis_index("s") * _NC + lax.axis_index("c")
    K = D // 2
    rows_w = N // _NW
    nb = -(-rows_w // _B)
    nslots = nb + (nb % 2)
    xlen = _xlen(F)
    sx, so = sems[:2], sems[2:]
    pltpu.sync_copy(tab_hbm, tab_v)

    iota = lax.iota(jnp.int32, _L)
    offv = jnp.where(iota < F, iota * V, 0) * K
    splat_idx = [jnp.full((_L, 1), i, jnp.int32) for i in range(F)]
    gdims = lax.GatherDimensionNumbers(
        offset_dims=(), collapsed_slice_dims=(0,), start_index_map=(0,))
    chunk_iota = [iota + c * _L for c in range(D // (2 * _L))]

    def xwin(k):
        base = wid * rows_w + jnp.minimum(k * _B, rows_w - _B)
        xstart = pl.multiple_of((base * F >> 3) << 3, 8)
        return base, xstart

    for p in range(2):
        _, xstart = xwin(p)
        pltpu.async_copy(x_hbm.at[pl.ds(xstart, xlen)], xb_vs[p], sx[p])

    def batch_pair(j2, carry):
        for p in range(2):
            k = 2 * j2 + p
            base, xstart = xwin(k)
            delta = base * F - xstart
            xb_v, out_v = xb_vs[p], out_vs[p]
            pltpu.make_async_copy(x_hbm.at[pl.ds(xstart, xlen)], xb_v,
                                  sx[p]).wait()

            @pl.when(j2 >= 1)
            def _():
                pltpu.make_async_copy(
                    out_v, out_hbm.at[pl.ds(0, _B * D)], so[p]).wait()

            @plsc.parallel_loop(0, _B, step=1, unroll=2)
            def row_body(b):
                xv = xb_v[pl.ds(delta + b * F, _L)]
                bases = xv * K + offv
                addr = [lax.gather(
                            bases, splat_idx[i], gdims, slice_sizes=(1,),
                            mode=lax.GatherScatterMode.PROMISE_IN_BOUNDS)
                        for i in range(F)]
                out_row = b * D
                for c in range(K // _L):
                    g = [plsc.bitcast(
                            plsc.load_gather(tab_v,
                                             [addr[i] + chunk_iota[c]]),
                            jnp.bfloat16)
                         for i in range(F)]
                    while len(g) > 1:
                        g = [g[j3] + g[j3 + 1]
                             for j3 in range(0, len(g) - 1, 2)] \
                            + ([g[-1]] if len(g) % 2 else [])
                    lo, hi = plsc.unpack(
                        g[0], format=plsc.PackFormat.INTERLEAVED)
                    out_v[pl.ds(out_row + c * 2 * _L, _L)] = lo
                    out_v[pl.ds(out_row + c * 2 * _L + _L, _L)] = hi

            pltpu.async_copy(
                out_v,
                out_hbm.at[pl.ds(pl.multiple_of(base * D, 8), _B * D)],
                so[p])

            @pl.when(k + 2 < nslots)
            def _():
                _, xs2 = xwin(k + 2)
                pltpu.async_copy(x_hbm.at[pl.ds(xs2, xlen)], xb_v, sx[p])
        return carry

    lax.fori_loop(0, nslots // 2, batch_pair, 0, unroll=False)
    for p in range(2):
        pltpu.make_async_copy(out_vs[p], out_hbm.at[pl.ds(0, _B * D)],
                              so[p]).wait()


def kernel(x, tables):
    N, F = x.shape
    _, V, D = tables.shape
    K = D // 2

    x_flat = jnp.pad(x.reshape(N * F), (0, _xlen(F)))
    tab_pairs = lax.bitcast_convert_type(
        tables.astype(jnp.bfloat16).reshape(F * V, D // 32, 2, _L)
        .transpose(0, 1, 3, 2).reshape(F * V * K, 2), jnp.int32)

    mesh = plsc.VectorSubcoreMesh(core_axis_name="c", subcore_axis_name="s")
    body = functools.partial(_sc_body, F=F, V=V, D=D, N=N)
    out = pl.kernel(
        body,
        out_type=jax.ShapeDtypeStruct((N * D,), jnp.float32),
        mesh=mesh,
        scratch_types=[
            pltpu.VMEM((F * V * K,), jnp.int32),
            [pltpu.VMEM((_B * D,), jnp.float32)] * 2,
            [pltpu.VMEM((_xlen(F),), jnp.int32)] * 2,
            [pltpu.SemaphoreType.DMA] * 4,
        ],
        compiler_params=pltpu.CompilerParams(needs_layout_passes=False),
    )(x_flat, tab_pairs)
    return out.reshape(N, D)

# --- scband reference (transcript-rebuilt; emitter-appended) ---
"""Pipeline reference for scband-atom-bond-encoder-2800318677653 (READ-ONLY COPY).

The authoritative reference and input builder live on the scoring server;
editing this copy changes nothing except your own understanding.
"""

import jax, jax.numpy as jnp
import numpy as np

NUM_EMB_LIST = [100, 100, 100, 100, 100, 100, 100, 100, 100]
EMB_DIM = 128
N = 100000

def setup_inputs(seed: int = 0) -> dict:
    key = jax.random.key(seed)
    kx, kw = jax.random.split(key)
    x = jax.random.randint(kx, (N, len(NUM_EMB_LIST)), 0, 100, dtype=jnp.int64 if jax.config.jax_enable_x64 else jnp.int32)
    x = x.astype(jnp.int32)
    # one embedding table per categorical feature; all same shape so stack: [F, vocab, emb_dim]
    tables = jax.random.normal(kw, (len(NUM_EMB_LIST), NUM_EMB_LIST[0], EMB_DIM), dtype=jnp.float32)
    return {"x": x, "tables": tables}

def reference(x, tables):
    # Faithful translation: out = sum_i Embedding_i(x[:, i])
    out = jnp.zeros((x.shape[0], EMB_DIM), dtype=tables.dtype)
    for i in range(tables.shape[0]):
        out = out + jnp.take(tables[i], x[:, i], axis=0)
    return out

if __name__ == "__main__":
    import jax
    _d = setup_inputs()
    print(jax.jit(kernel)(*tuple(_d.values())))

</pallas_src>

<mosaic_0001>
#map = affine_map<(d0, d1) -> (0)>
module attributes {stable_mosaic.version = 14 : i64} {
  func.func @_sc_body(%arg0: i32, %arg1: i32, %arg2: memref<901176xi32, #tpu.memory_space<hbm>>, %arg3: memref<57600xi32, #tpu.memory_space<hbm>>, %arg4: memref<12800000xf32, #tpu.memory_space<hbm>>, %arg5: memref<57600xi32, #tpu.memory_space<vmem>>, %arg6: memref<16384xf32, #tpu.memory_space<vmem>>, %arg7: memref<16384xf32, #tpu.memory_space<vmem>>, %arg8: memref<1176xi32, #tpu.memory_space<vmem>>, %arg9: memref<1176xi32, #tpu.memory_space<vmem>>, %arg10: memref<!tpu.dma_semaphore, #tpu.memory_space<semaphore_mem>>, %arg11: memref<!tpu.dma_semaphore, #tpu.memory_space<semaphore_mem>>, %arg12: memref<!tpu.dma_semaphore, #tpu.memory_space<semaphore_mem>>, %arg13: memref<!tpu.dma_semaphore, #tpu.memory_space<semaphore_mem>>) attributes {dimension_semantics = [#tpu.dimension_semantics<core_parallel>, #tpu.dimension_semantics<subcore_parallel>], iteration_bounds = array<i64: 2, 16>, scalar_prefetch = 0 : i64, scratch_operands = 9 : i64, tpu.core_type = #tpu.core_type<sc_vector_subcore>, window_params = [{transform_indices = #map}, {transform_indices = #map}, {transform_indices = #map}]} {
    %mul3A = arith.constant 2 : i32
    %mul3A_0 = arith.muli %arg1, %mul3A : i32
    %add3A = arith.addi %mul3A_0, %arg0 : i32
    "tpu.region"() ({
      %run_scoped3A = tpu.sem_alloc : memref<!tpu.dma_semaphore, #tpu.memory_space<semaphore_mem>>
      tpu.enqueue_dma source(%arg3 : memref<57600xi32, #tpu.memory_space<hbm>>) target(%arg5 : memref<57600xi32, #tpu.memory_space<vmem>>) target_semaphore(%run_scoped3A : memref<!tpu.dma_semaphore, #tpu.memory_space<semaphore_mem>>)
      tpu.wait_dma2 semaphore(%run_scoped3A : memref<!tpu.dma_semaphore, #tpu.memory_space<semaphore_mem>>) src(%arg3 : memref<57600xi32, #tpu.memory_space<hbm>>) dst(%arg5 : memref<57600xi32, #tpu.memory_space<vmem>>)
      tpu.yield
    }) : () -> ()
    %iota3A = tpu.iota {dimensions = array<i32: 0>} : vector<16xi32>
    %lt3A = arith.constant 9 : i32
    %lt3A_1 = vector.broadcast %lt3A : i32 to vector<16xi32>
    %lt3A_2 = arith.cmpi slt, %iota3A, %lt3A_1 : vector<16xi32>
    %mul3A_3 = arith.constant 100 : i32
    %mul3A_4 = vector.broadcast %mul3A_3 : i32 to vector<16xi32>
    %mul3A_5 = arith.muli %iota3A, %mul3A_4 : vector<16xi32>
    %jit3A = arith.constant 0 : i32
    %broadcast_in_dim3A = vector.broadcast %jit3A : i32 to vector<16xi32>
    %select_n3A = arith.select %lt3A_2, %mul3A_5, %broadcast_in_dim3A : vector<16xi1>, vector<16xi32>
    %mul3A_6 = arith.constant 64 : i32
    %mul3A_7 = vector.broadcast %mul3A_6 : i32 to vector<16xi32>
    %mul3A_8 = arith.muli %select_n3A, %mul3A_7 : vector<16xi32>
    %broadcast_in_dim3A_9 = arith.constant 0 : i32
    %broadcast_in_dim3A_10 = vector.broadcast %broadcast_in_dim3A_9 : i32 to vector<16x1xi32>
    %broadcast_in_dim3A_11 = arith.constant 1 : i32
    %broadcast_in_dim3A_12 = vector.broadcast %broadcast_in_dim3A_11 : i32 to vector<16x1xi32>
    %broadcast_in_dim3A_13 = arith.constant 2 : i32
    %broadcast_in_dim3A_14 = vector.broadcast %broadcast_in_dim3A_13 : i32 to vector<16x1xi32>
    %broadcast_in_dim3A_15 = arith.constant 3 : i32
    %broadcast_in_dim3A_16 = vector.broadcast %broadcast_in_dim3A_15 : i32 to vector<16x1xi32>
    %broadcast_in_dim3A_17 = arith.constant 4 : i32
    %broadcast_in_dim3A_18 = vector.broadcast %broadcast_in_dim3A_17 : i32 to vector<16x1xi32>
    %broadcast_in_dim3A_19 = arith.constant 5 : i32
    %broadcast_in_dim3A_20 = vector.broadcast %broadcast_in_dim3A_19 : i32 to vector<16x1xi32>
    %broadcast_in_dim3A_21 = arith.constant 6 : i32
    %broadcast_in_dim3A_22 = vector.broadcast %broadcast_in_dim3A_21 : i32 to vector<16x1xi32>
    %broadcast_in_dim3A_23 = arith.constant 7 : i32
    %broadcast_in_dim3A_24 = vector.broadcast %broadcast_in_dim3A_23 : i32 to vector<16x1xi32>
    %broadcast_in_dim3A_25 = arith.constant 8 : i32
    %broadcast_in_dim3A_26 = vector.broadcast %broadcast_in_dim3A_25 : i32 to vector<16x1xi32>
    %add3A_27 = arith.constant 0 : i32
    %add3A_28 = vector.broadcast %add3A_27 : i32 to vector<16xi32>
    %add3A_29 = arith.addi %iota3A, %add3A_28 : vector<16xi32>
    %add3A_30 = arith.constant 16 : i32
    %add3A_31 = vector.broadcast %add3A_30 : i32 to vector<16xi32>
    %add3A_32 = arith.addi %iota3A, %add3A_31 : vector<16xi32>
    %add3A_33 = arith.constant 32 : i32
    %add3A_34 = vector.broadcast %add3A_33 : i32 to vector<16xi32>
    %add3A_35 = arith.addi %iota3A, %add3A_34 : vector<16xi32>
    %add3A_36 = arith.constant 48 : i32
    %add3A_37 = vector.broadcast %add3A_36 : i32 to vector<16xi32>
    %add3A_38 = arith.addi %iota3A, %add3A_37 : vector<16xi32>
    %mul3A_39 = arith.constant 3125 : i32
    %mul3A_40 = arith.muli %add3A, %mul3A_39 : i32
    %min3A = arith.constant 0 : i32
    %min3A_41 = arith.constant 2997 : i32
    %min3A_42 = arith.minsi %min3A, %min3A_41 : i32
    %add3A_43 = arith.addi %mul3A_40, %min3A_42 : i32
    %mul3A_44 = arith.constant 9 : i32
    %mul3A_45 = arith.muli %add3A_43, %mul3A_44 : i32
    %shift_right_arithmetic3A = arith.constant 3 : i32
    %shift_right_arithmetic3A_46 = arith.shrsi %mul3A_45, %shift_right_arithmetic3A : i32
    %shift_left3A = arith.constant 3 : i32
    %shift_left3A_47 = arith.shli %shift_right_arithmetic3A_46, %shift_left3A : i32
    %multiple_of3A = tpu.assume_multiple %shift_left3A_47, 8 : i32
    %dma_start3A = tpu.memref_slice %arg2[%multiple_of3A] : memref<901176xi32, #tpu.memory_space<hbm>> -> memref<1176xi32, #tpu.memory_space<hbm>>
    %dma_start3A_48 = tpu.memref_slice %arg2[%multiple_of3A] : memref<901176xi32, #tpu.memory_space<hbm>> -> memref<1176xi32, #tpu.memory_space<hbm>>
    tpu.enqueue_dma source(%dma_start3A_48 : memref<1176xi32, #tpu.memory_space<hbm>>) target(%arg8 : memref<1176xi32, #tpu.memory_space<vmem>>) target_semaphore(%arg10 : memref<!tpu.dma_semaphore, #tpu.memory_space<semaphore_mem>>)
    %mul3A_49 = arith.constant 3125 : i32
    %mul3A_50 = arith.muli %add3A, %mul3A_49 : i32
    %min3A_51 = arith.constant 128 : i32
    %min3A_52 = arith.constant 2997 : i32
    %min3A_53 = arith.minsi %min3A_51, %min3A_52 : i32
    %add3A_54 = arith.addi %mul3A_50, %min3A_53 : i32
    %mul3A_55 = arith.constant 9 : i32
    %mul3A_56 = arith.muli %add3A_54, %mul3A_55 : i32
    %shift_right_arithmetic3A_57 = arith.constant 3 : i32
    %shift_right_arithmetic3A_58 = arith.shrsi %mul3A_56, %shift_right_arithmetic3A_57 : i32
    %shift_left3A_59 = arith.constant 3 : i32
    %shift_left3A_60 = arith.shli %shift_right_arithmetic3A_58, %shift_left3A_59 : i32
    %multiple_of3A_61 = tpu.assume_multiple %shift_left3A_60, 8 : i32
    %dma_start3A_62 = tpu.memref_slice %arg2[%multiple_of3A_61] : memref<901176xi32, #tpu.memory_space<hbm>> -> memref<1176xi32, #tpu.memory_space<hbm>>
    %dma_start3A_63 = tpu.memref_slice %arg2[%multiple_of3A_61] : memref<901176xi32, #tpu.memory_space<hbm>> -> memref<1176xi32, #tpu.memory_space<hbm>>
    tpu.enqueue_dma source(%dma_start3A_63 : memref<1176xi32, #tpu.memory_space<hbm>>) target(%arg9 : memref<1176xi32, #tpu.memory_space<vmem>>) target_semaphore(%arg11 : memref<!tpu.dma_semaphore, #tpu.memory_space<semaphore_mem>>)
    %scan3A = arith.constant 0 : i32
    %scan3A_64 = arith.constant 0 : i32
    %scan3A_65 = arith.constant 13 : i32
    %scan3A_66 = arith.addi %scan3A_64, %scan3A_65 : i32
    %scan3A_67 = arith.constant 1 : i32
    scf.for %scan3A_76 = %scan3A_64 to %scan3A_66 step %scan3A_67  : i32 {
      %mul3A_77 = arith.constant 2 : i32
      %mul3A_78 = arith.muli %mul3A_77, %scan3A_76 : i32
      %add3A_79 = arith.constant 0 : i32
      %add3A_80 = arith.addi %mul3A_78, %add3A_79 : i32
      %mul3A_81 = arith.constant 3125 : i32
      %mul3A_82 = arith.muli %add3A, %mul3A_81 : i32
      %mul3A_83 = arith.constant 128 : i32
      %mul3A_84 = arith.muli %add3A_80, %mul3A_83 : i32
      %min3A_85 = arith.constant 2997 : i32
      %min3A_86 = arith.minsi %mul3A_84, %min3A_85 : i32
      %add3A_87 = arith.addi %mul3A_82, %min3A_86 : i32
      %mul3A_88 = arith.constant 9 : i32
      %mul3A_89 = arith.muli %add3A_87, %mul3A_88 : i32
      %shift_right_arithmetic3A_90 = arith.constant 3 : i32
      %shift_right_arithmetic3A_91 = arith.shrsi %mul3A_89, %shift_right_arithmetic3A_90 : i32
      %shift_left3A_92 = arith.constant 3 : i32
      %shift_left3A_93 = arith.shli %shift_right_arithmetic3A_91, %shift_left3A_92 : i32
      %multiple_of3A_94 = tpu.assume_multiple %shift_left3A_93, 8 : i32
      %mul3A_95 = arith.constant 9 : i32
      %mul3A_96 = arith.muli %add3A_87, %mul3A_95 : i32
      %sub3A = arith.subi %mul3A_96, %multiple_of3A_94 : i32
      %dma_wait3A_97 = tpu.memref_slice %arg2[%multiple_of3A_94] : memref<901176xi32, #tpu.memory_space<hbm>> -> memref<1176xi32, #tpu.memory_space<hbm>>
      %dma_wait3A_98 = tpu.memref_slice %arg2[%multiple_of3A_94] : memref<901176xi32, #tpu.memory_space<hbm>> -> memref<1176xi32, #tpu.memory_space<hbm>>
      tpu.wait_dma2 semaphore(%arg10 : memref<!tpu.dma_semaphore, #tpu.memory_space<semaphore_mem>>) src(%dma_wait3A_98 : memref<1176xi32, #tpu.memory_space<hbm>>) dst(%arg8 : memref<1176xi32, #tpu.memory_space<vmem>>)
      %ge3A = arith.constant 1 : i32
      %ge3A_99 = arith.cmpi sge, %scan3A_76, %ge3A : i32
      %convert_element_type3A = arith.extui %ge3A_99 : i1 to i32
      %cond3A = arith.constant 0 : i32
      %cond3A_100 = arith.cmpi ne, %convert_element_type3A, %cond3A : i32
      scf.if %cond3A_100 {
        %dma_wait3A_158 = arith.constant 0 : i32
        %dma_wait3A_159 = tpu.memref_slice %arg4[%dma_wait3A_158] : memref<12800000xf32, #tpu.memory_space<hbm>> -> memref<16384xf32, #tpu.memory_space<hbm>>
        %dma_wait3A_160 = arith.constant 0 : i32
        %dma_wait3A_161 = tpu.memref_slice %arg4[%dma_wait3A_160] : memref<12800000xf32, #tpu.memory_space<hbm>> -> memref<16384xf32, #tpu.memory_space<hbm>>
        tpu.wait_dma2 semaphore(%arg12 : memref<!tpu.dma_semaphore, #tpu.memory_space<semaphore_mem>>) src(%arg6 : memref<16384xf32, #tpu.memory_space<vmem>>) dst(%dma_wait3A_161 : memref<16384xf32, #tpu.memory_space<hbm>>)
      } else {
      }
      %parallel_loop3A = arith.constant 0 : i32
      %parallel_loop3A_101 = arith.constant 128 : i32
      %parallel_loop3A_102 = arith.constant 1 : i32
      scf.for %parallel_loop3A_158 = %parallel_loop3A to %parallel_loop3A_101 step %parallel_loop3A_102  : i32 {
        %parallel_loop3A_159 = arith.constant 9 : i32
        %parallel_loop3A_160 = arith.muli %parallel_loop3A_158, %parallel_loop3A_159 : i32
        %parallel_loop3A_161 = arith.addi %sub3A, %parallel_loop3A_160 : i32
        %parallel_loop3A_162 = arith.index_cast %parallel_loop3A_161 : i32 to index
        %parallel_loop3A_163 = tpu.vector_load %arg8[%parallel_loop3A_162] {strides = array<i32>} : memref<1176xi32, #tpu.memory_space<vmem>>, vector<16xi32>,
        %parallel_loop3A_164 = arith.constant 64 : i32
        %parallel_loop3A_165 = vector.broadcast %parallel_loop3A_164 : i32 to vector<16xi32>
        %parallel_loop3A_166 = arith.muli %parallel_loop3A_163, %parallel_loop3A_165 : vector<16xi32>
        %parallel_loop3A_167 = arith.addi %parallel_loop3A_166, %mul3A_8 : vector<16xi32>
        %parallel_loop3A_168 = vector.shape_cast %broadcast_in_dim3A_10 : vector<16x1xi32> to vector<16xi32>
        %parallel_loop3A_169 = tpu.dynamic_gather %parallel_loop3A_167[%parallel_loop3A_168] in [0] : vector<16xi32>, vector<16xi32> -> vector<16xi32>
        %parallel_loop3A_170 = vector.shape_cast %broadcast_in_dim3A_12 : vector<16x1xi32> to vector<16xi32>
        %parallel_loop3A_171 = tpu.dynamic_gather %parallel_loop3A_167[%parallel_loop3A_170] in [0] : vector<16xi32>, vector<16xi32> -> vector<16xi32>
        %parallel_loop3A_172 = vector.shape_cast %broadcast_in_dim3A_14 : vector<16x1xi32> to vector<16xi32>
        %parallel_loop3A_173 = tpu.dynamic_gather %parallel_loop3A_167[%parallel_loop3A_172] in [0] : vector<16xi32>, vector<16xi32> -> vector<16xi32>
        %parallel_loop3A_174 = vector.shape_cast %broadcast_in_dim3A_16 : vector<16x1xi32> to vector<16xi32>
        %parallel_loop3A_175 = tpu.dynamic_gather %parallel_loop3A_167[%parallel_loop3A_174] in [0] : vector<16xi32>, vector<16xi32> -> vector<16xi32>
        %parallel_loop3A_176 = vector.shape_cast %broadcast_in_dim3A_18 : vector<16x1xi32> to vector<16xi32>
        %parallel_loop3A_177 = tpu.dynamic_gather %parallel_loop3A_167[%parallel_loop3A_176] in [0] : vector<16xi32>, vector<16xi32> -> vector<16xi32>
        %parallel_loop3A_178 = vector.shape_cast %broadcast_in_dim3A_20 : vector<16x1xi32> to vector<16xi32>
        %parallel_loop3A_179 = tpu.dynamic_gather %parallel_loop3A_167[%parallel_loop3A_178] in [0] : vector<16xi32>, vector<16xi32> -> vector<16xi32>
        %parallel_loop3A_180 = vector.shape_cast %broadcast_in_dim3A_22 : vector<16x1xi32> to vector<16xi32>
        %parallel_loop3A_181 = tpu.dynamic_gather %parallel_loop3A_167[%parallel_loop3A_180] in [0] : vector<16xi32>, vector<16xi32> -> vector<16xi32>
        %parallel_loop3A_182 = vector.shape_cast %broadcast_in_dim3A_24 : vector<16x1xi32> to vector<16xi32>
        %parallel_loop3A_183 = tpu.dynamic_gather %parallel_loop3A_167[%parallel_loop3A_182] in [0] : vector<16xi32>, vector<16xi32> -> vector<16xi32>
        %parallel_loop3A_184 = vector.shape_cast %broadcast_in_dim3A_26 : vector<16x1xi32> to vector<16xi32>
        %parallel_loop3A_185 = tpu.dynamic_gather %parallel_loop3A_167[%parallel_loop3A_184] in [0] : vector<16xi32>, vector<16xi32> -> vector<16xi32>
        %parallel_loop3A_186 = arith.constant 128 : i32
        %parallel_loop3A_187 = arith.muli %parallel_loop3A_158, %parallel_loop3A_186 : i32
        %parallel_loop3A_188 = arith.addi %parallel_loop3A_169, %add3A_29 : vector<16xi32>
        %parallel_loop3A_189 = tpu.vector_load_idx %arg5[%parallel_loop3A_188] : memref<57600xi32, #tpu.memory_space<vmem>>[vector<16xi32>], vector<16xi32>,
        %parallel_loop3A_190 = vector.bitcast %parallel_loop3A_189 : vector<16xi32> to vector<32xbf16>
        %parallel_loop3A_191 = arith.addi %parallel_loop3A_171, %add3A_29 : vector<16xi32>
        %parallel_loop3A_192 = tpu.vector_load_idx %arg5[%parallel_loop3A_191] : memref<57600xi32, #tpu.memory_space<vmem>>[vector<16xi32>], vector<16xi32>,
        %parallel_loop3A_193 = vector.bitcast %parallel_loop3A_192 : vector<16xi32> to vector<32xbf16>
        %parallel_loop3A_194 = arith.addi %parallel_loop3A_173, %add3A_29 : vector<16xi32>
        %parallel_loop3A_195 = tpu.vector_load_idx %arg5[%parallel_loop3A_194] : memref<57600xi32, #tpu.memory_space<vmem>>[vector<16xi32>], vector<16xi32>,
        %parallel_loop3A_196 = vector.bitcast %parallel_loop3A_195 : vector<16xi32> to vector<32xbf16>
        %parallel_loop3A_197 = arith.addi %parallel_loop3A_175, %add3A_29 : vector<16xi32>
        %parallel_loop3A_198 = tpu.vector_load_idx %arg5[%parallel_loop3A_197] : memref<57600xi32, #tpu.memory_space<vmem>>[vector<16xi32>], vector<16xi32>,
        %parallel_loop3A_199 = vector.bitcast %parallel_loop3A_198 : vector<16xi32> to vector<32xbf16>
        %parallel_loop3A_200 = arith.addi %parallel_loop3A_177, %add3A_29 : vector<16xi32>
        %parallel_loop3A_201 = tpu.vector_load_idx %arg5[%parallel_loop3A_200] : memref<57600xi32, #tpu.memory_space<vmem>>[vector<16xi32>], vector<16xi32>,
        %parallel_loop3A_202 = vector.bitcast %parallel_loop3A_201 : vector<16xi32> to vector<32xbf16>
        %parallel_loop3A_203 = arith.addi %parallel_loop3A_179, %add3A_29 : vector<16xi32>
        %parallel_loop3A_204 = tpu.vector_load_idx %arg5[%parallel_loop3A_203] : memref<57600xi32, #tpu.memory_space<vmem>>[vector<16xi32>], vector<16xi32>,
        %parallel_loop3A_205 = vector.bitcast %parallel_loop3A_204 : vector<16xi32> to vector<32xbf16>
        %parallel_loop3A_206 = arith.addi %parallel_loop3A_181, %add3A_29 : vector<16xi32>
        %parallel_loop3A_207 = tpu.vector_load_idx %arg5[%parallel_loop3A_206] : memref<57600xi32, #tpu.memory_space<vmem>>[vector<16xi32>], vector<16xi32>,
        %parallel_loop3A_208 = vector.bitcast %parallel_loop3A_207 : vector<16xi32> to vector<32xbf16>
        %parallel_loop3A_209 = arith.addi %parallel_loop3A_183, %add3A_29 : vector<16xi32>
        %parallel_loop3A_210 = tpu.vector_load_idx %arg5[%parallel_loop3A_209] : memref<57600xi32, #tpu.memory_space<vmem>>[vector<16xi32>], vector<16xi32>,
        %parallel_loop3A_211 = vector.bitcast %parallel_loop3A_210 : vector<16xi32> to vector<32xbf16>
        %parallel_loop3A_212 = arith.addi %parallel_loop3A_185, %add3A_29 : vector<16xi32>
        %parallel_loop3A_213 = tpu.vector_load_idx %arg5[%parallel_loop3A_212] : memref<57600xi32, #tpu.memory_space<vmem>>[vector<16xi32>], vector<16xi32>,
        %parallel_loop3A_214 = vector.bitcast %parallel_loop3A_213 : vector<16xi32> to vector<32xbf16>
        %parallel_loop3A_215 = arith.addf %parallel_loop3A_190, %parallel_loop3A_193 : vector<32xbf16>
        %parallel_loop3A_216 = arith.addf %parallel_loop3A_196, %parallel_loop3A_199 : vector<32xbf16>
        %parallel_loop3A_217 = arith.addf %parallel_loop3A_202, %parallel_loop3A_205 : vector<32xbf16>
        %parallel_loop3A_218 = arith.addf %parallel_loop3A_208, %parallel_loop3A_211 : vector<32xbf16>
        %parallel_loop3A_219 = arith.addf %parallel_loop3A_215, %parallel_loop3A_216 : vector<32xbf16>
        %parallel_loop3A_220 = arith.addf %parallel_loop3A_217, %parallel_loop3A_218 : vector<32xbf16>
        %parallel_loop3A_221 = arith.addf %parallel_loop3A_219, %parallel_loop3A_220 : vector<32xbf16>
        %parallel_loop3A_222 = arith.addf %parallel_loop3A_221, %parallel_loop3A_214 : vector<32xbf16>
        %parallel_loop3A_223 = tpu.unpack_subelements %parallel_loop3A_222, 0 {pack_format = #tpu.pack_format<interleaved>} : vector<32xbf16> -> vector<16xf32>
        %parallel_loop3A_224 = tpu.unpack_subelements %parallel_loop3A_222, 1 {pack_format = #tpu.pack_format<interleaved>} : vector<32xbf16> -> vector<16xf32>
        %parallel_loop3A_225 = arith.constant 0 : i32
        %parallel_loop3A_226 = arith.addi %parallel_loop3A_187, %parallel_loop3A_225 : i32
        %parallel_loop3A_227 = arith.index_cast %parallel_loop3A_226 : i32 to index
        %parallel_loop3A_228 = tpu.vector_load %arg6[%parallel_loop3A_227] {strides = array<i32>} : memref<16384xf32, #tpu.memory_space<vmem>>, vector<16xf32>,
        tpu.vector_store %arg6[%parallel_loop3A_227], %parallel_loop3A_223 {strides = array<i32>} : memref<16384xf32, #tpu.memory_space<vmem>>, vector<16xf32>,
        %parallel_loop3A_229 = arith.constant 0 : i32
        %parallel_loop3A_230 = arith.addi %parallel_loop3A_187, %parallel_loop3A_229 : i32
        %parallel_loop3A_231 = arith.constant 16 : i32
        %parallel_loop3A_232 = arith.addi %parallel_loop3A_230, %parallel_loop3A_231 : i32
        %parallel_loop3A_233 = arith.index_cast %parallel_loop3A_232 : i32 to index
        %parallel_loop3A_234 = tpu.vector_load %arg6[%parallel_loop3A_233] {strides = array<i32>} : memref<16384xf32, #tpu.memory_space<vmem>>, vector<16xf32>,
        tpu.vector_store %arg6[%parallel_loop3A_233], %parallel_loop3A_224 {strides = array<i32>} : memref<16384xf32, #tpu.memory_space<vmem>>, vector<16xf32>,
        %parallel_loop3A_235 = arith.addi %parallel_loop3A_169, %add3A_32 : vector<16xi32>
        %parallel_loop3A_236 = tpu.vector_load_idx %arg5[%parallel_loop3A_235] : memref<57600xi32, #tpu.memory_space<vmem>>[vector<16xi32>], vector<16xi32>,
        %parallel_loop3A_237 = vector.bitcast %parallel_loop3A_236 : vector<16xi32> to vector<32xbf16>
        %parallel_loop3A_238 = arith.addi %parallel_loop3A_171, %add3A_32 : vector<16xi32>
        %parallel_loop3A_239 = tpu.vector_load_idx %arg5[%parallel_loop3A_238] : memref<57600xi32, #tpu.memory_space<vmem>>[vector<16xi32>], vector<16xi32>,
        %parallel_loop3A_240 = vector.bitcast %parallel_loop3A_239 : vector<16xi32> to vector<32xbf16>
        %parallel_loop3A_241 = arith.addi %parallel_loop3A_173, %add3A_32 : vector<16xi32>
        %parallel_loop3A_242 = tpu.vector_load_idx %arg5[%parallel_loop3A_241] : memref<57600xi32, #tpu.memory_space<vmem>>[vector<16xi32>], vector<16xi32>,
        %parallel_loop3A_243 = vector.bitcast %parallel_loop3A_242 : vector<16xi32> to vector<32xbf16>
        %parallel_loop3A_244 = arith.addi %parallel_loop3A_175, %add3A_32 : vector<16xi32>
        %parallel_loop3A_245 = tpu.vector_load_idx %arg5[%parallel_loop3A_244] : memref<57600xi32, #tpu.memory_space<vmem>>[vector<16xi32>], vector<16xi32>,
        %parallel_loop3A_246 = vector.bitcast %parallel_loop3A_245 : vector<16xi32> to vector<32xbf16>
        %parallel_loop3A_247 = arith.addi %parallel_loop3A_177, %add3A_32 : vector<16xi32>
        %parallel_loop3A_248 = tpu.vector_load_idx %arg5[%parallel_loop3A_247] : memref<57600xi32, #tpu.memory_space<vmem>>[vector<16xi32>], vector<16xi32>,
        %parallel_loop3A_249 = vector.bitcast %parallel_loop3A_248 : vector<16xi32> to vector<32xbf16>
        %parallel_loop3A_250 = arith.addi %parallel_loop3A_179, %add3A_32 : vector<16xi32>
        %parallel_loop3A_251 = tpu.vector_load_idx %arg5[%parallel_loop3A_250] : memref<57600xi32, #tpu.memory_space<vmem>>[vector<16xi32>], vector<16xi32>,
        %parallel_loop3A_252 = vector.bitcast %parallel_loop3A_251 : vector<16xi32> to vector<32xbf16>
        %parallel_loop3A_253 = arith.addi %parallel_loop3A_181, %add3A_32 : vector<16xi32>
        %parallel_loop3A_254 = tpu.vector_load_idx %arg5[%parallel_loop3A_253] : memref<57600xi32, #tpu.memory_space<vmem>>[vector<16xi32>], vector<16xi32>,
        %parallel_loop3A_255 = vector.bitcast %parallel_loop3A_254 : vector<16xi32> to vector<32xbf16>
        %parallel_loop3A_256 = arith.addi %parallel_loop3A_183, %add3A_32 : vector<16xi32>
        %parallel_loop3A_257 = tpu.vector_load_idx %arg5[%parallel_loop3A_256] : memref<57600xi32, #tpu.memory_space<vmem>>[vector<16xi32>], vector<16xi32>,
        %parallel_loop3A_258 = vector.bitcast %parallel_loop3A_257 : vector<16xi32> to vector<32xbf16>
        %parallel_loop3A_259 = arith.addi %parallel_loop3A_185, %add3A_32 : vector<16xi32>
        %parallel_loop3A_260 = tpu.vector_load_idx %arg5[%parallel_loop3A_259] : memref<57600xi32, #tpu.memory_space<vmem>>[vector<16xi32>], vector<16xi32>,
        %parallel_loop3A_261 = vector.bitcast %parallel_loop3A_260 : vector<16xi32> to vector<32xbf16>
        %parallel_loop3A_262 = arith.addf %parallel_loop3A_237, %parallel_loop3A_240 : vector<32xbf16>
        %parallel_loop3A_263 = arith.addf %parallel_loop3A_243, %parallel_loop3A_246 : vector<32xbf16>
        %parallel_loop3A_264 = arith.addf %parallel_loop3A_249, %parallel_loop3A_252 : vector<32xbf16>
        %parallel_loop3A_265 = arith.addf %parallel_loop3A_255, %parallel_loop3A_258 : vector<32xbf16>
        %parallel_loop3A_266 = arith.addf %parallel_loop3A_262, %parallel_loop3A_263 : vector<32xbf16>
        %parallel_loop3A_267 = arith.addf %parallel_loop3A_264, %parallel_loop3A_265 : vector<32xbf16>
        %parallel_loop3A_268 = arith.addf %parallel_loop3A_266, %parallel_loop3A_267 : vector<32xbf16>
        %parallel_loop3A_269 = arith.addf %parallel_loop3A_268, %parallel_loop3A_261 : vector<32xbf16>
        %parallel_loop3A_270 = tpu.unpack_subelements %parallel_loop3A_269, 0 {pack_format = #tpu.pack_format<interleaved>} : vector<32xbf16> -> vector<16xf32>
        %parallel_loop3A_271 = tpu.unpack_subelements %parallel_loop3A_269, 1 {pack_format = #tpu.pack_format<interleaved>} : vector<32xbf16> -> vector<16xf32>
        %parallel_loop3A_272 = arith.constant 32 : i32
        %parallel_loop3A_273 = arith.addi %parallel_loop3A_187, %parallel_loop3A_272 : i32
        %parallel_loop3A_274 = arith.index_cast %parallel_loop3A_273 : i32 to index
        %parallel_loop3A_275 = tpu.vector_load %arg6[%parallel_loop3A_274] {strides = array<i32>} : memref<16384xf32, #tpu.memory_space<vmem>>, vector<16xf32>,
        tpu.vector_store %arg6[%parallel_loop3A_274], %parallel_loop3A_270 {strides = array<i32>} : memref<16384xf32, #tpu.memory_space<vmem>>, vector<16xf32>,
        %parallel_loop3A_276 = arith.constant 32 : i32
        %parallel_loop3A_277 = arith.addi %parallel_loop3A_187, %parallel_loop3A_276 : i32
        %parallel_loop3A_278 = arith.constant 16 : i32
        %parallel_loop3A_279 = arith.addi %parallel_loop3A_277, %parallel_loop3A_278 : i32
        %parallel_loop3A_280 = arith.index_cast %parallel_loop3A_279 : i32 to index
        %parallel_loop3A_281 = tpu.vector_load %arg6[%parallel_loop3A_280] {strides = array<i32>} : memref<16384xf32, #tpu.memory_space<vmem>>, vector<16xf32>,
        tpu.vector_store %arg6[%parallel_loop3A_280], %parallel_loop3A_271 {strides = array<i32>} : memref<16384xf32, #tpu.memory_space<vmem>>, vector<16xf32>,
        %parallel_loop3A_282 = arith.addi %parallel_loop3A_169, %add3A_35 : vector<16xi32>
        %parallel_loop3A_283 = tpu.vector_load_idx %arg5[%parallel_loop3A_282] : memref<57600xi32, #tpu.memory_space<vmem>>[vector<16xi32>], vector<16xi32>,
        %parallel_loop3A_284 = vector.bitcast %parallel_loop3A_283 : vector<16xi32> to vector<32xbf16>
        %parallel_loop3A_285 = arith.addi %parallel_loop3A_171, %add3A_35 : vector<16xi32>
        %parallel_loop3A_286 = tpu.vector_load_idx %arg5[%parallel_loop3A_285] : memref<57600xi32, #tpu.memory_space<vmem>>[vector<16xi32>], vector<16xi32>,
        %parallel_loop3A_287 = vector.bitcast %parallel_loop3A_286 : vector<16xi32> to vector<32xbf16>
        %parallel_loop3A_288 = arith.addi %parallel_loop3A_173, %add3A_35 : vector<16xi32>
        %parallel_loop3A_289 = tpu.vector_load_idx %arg5[%parallel_loop3A_288] : memref<57600xi32, #tpu.memory_space<vmem>>[vector<16xi32>], vector<16xi32>,
        %parallel_loop3A_290 = vector.bitcast %parallel_loop3A_289 : vector<16xi32> to vector<32xbf16>
        %parallel_loop3A_291 = arith.addi %parallel_loop3A_175, %add3A_35 : vector<16xi32>
        %parallel_loop3A_292 = tpu.vector_load_idx %arg5[%parallel_loop3A_291] : memref<57600xi32, #tpu.memory_space<vmem>>[vector<16xi32>], vector<16xi32>,
        %parallel_loop3A_293 = vector.bitcast %parallel_loop3A_292 : vector<16xi32> to vector<32xbf16>
        %parallel_loop3A_294 = arith.addi %parallel_loop3A_177, %add3A_35 : vector<16xi32>
        %parallel_loop3A_295 = tpu.vector_load_idx %arg5[%parallel_loop3A_294] : memref<57600xi32, #tpu.memory_space<vmem>>[vector<16xi32>], vector<16xi32>,
        %parallel_loop3A_296 = vector.bitcast %parallel_loop3A_295 : vector<16xi32> to vector<32xbf16>
        %parallel_loop3A_297 = arith.addi %parallel_loop3A_179, %add3A_35 : vector<16xi32>
        %parallel_loop3A_298 = tpu.vector_load_idx %arg5[%parallel_loop3A_297] : memref<57600xi32, #tpu.memory_space<vmem>>[vector<16xi32>], vector<16xi32>,
        %parallel_loop3A_299 = vector.bitcast %parallel_loop3A_298 : vector<16xi32> to vector<32xbf16>
        %parallel_loop3A_300 = arith.addi %parallel_loop3A_181, %add3A_35 : vector<16xi32>
        %parallel_loop3A_301 = tpu.vector_load_idx %arg5[%parallel_loop3A_300] : memref<57600xi32, #tpu.memory_space<vmem>>[vector<16xi32>], vector<16xi32>,
        %parallel_loop3A_302 = vector.bitcast %parallel_loop3A_301 : vector<16xi32> to vector<32xbf16>
        %parallel_loop3A_303 = arith.addi %parallel_loop3A_183, %add3A_35 : vector<16xi32>
        %parallel_loop3A_304 = tpu.vector_load_idx %arg5[%parallel_loop3A_303] : memref<57600xi32, #tpu.memory_space<vmem>>[vector<16xi32>], vector<16xi32>,
        %parallel_loop3A_305 = vector.bitcast %parallel_loop3A_304 : vector<16xi32> to vector<32xbf16>
        %parallel_loop3A_306 = arith.addi %parallel_loop3A_185, %add3A_35 : vector<16xi32>
        %parallel_loop3A_307 = tpu.vector_load_idx %arg5[%parallel_loop3A_306] : memref<57600xi32, #tpu.memory_space<vmem>>[vector<16xi32>], vector<16xi32>,
        %parallel_loop3A_308 = vector.bitcast %parallel_loop3A_307 : vector<16xi32> to vector<32xbf16>
        %parallel_loop3A_309 = arith.addf %parallel_loop3A_284, %parallel_loop3A_287 : vector<32xbf16>
        %parallel_loop3A_310 = arith.addf %parallel_loop3A_290, %parallel_loop3A_293 : vector<32xbf16>
        %parallel_loop3A_311 = arith.addf %parallel_loop3A_296, %parallel_loop3A_299 : vector<32xbf16>
        %parallel_loop3A_312 = arith.addf %parallel_loop3A_302, %parallel_loop3A_305 : vector<32xbf16>
        %parallel_loop3A_313 = arith.addf %parallel_loop3A_309, %parallel_loop3A_310 : vector<32xbf16>
        %parallel_loop3A_314 = arith.addf %parallel_loop3A_311, %parallel_loop3A_312 : vector<32xbf16>
        %parallel_loop3A_315 = arith.addf %parallel_loop3A_313, %parallel_loop3A_314 : vector<32xbf16>
        %parallel_loop3A_316 = arith.addf %parallel_loop3A_315, %parallel_loop3A_308 : vector<32xbf16>
        %parallel_loop3A_317 = tpu.unpack_subelements %parallel_loop3A_316, 0 {pack_format = #tpu.pack_format<interleaved>} : vector<32xbf16> -> vector<16xf32>
        %parallel_loop3A_318 = tpu.unpack_subelements %parallel_loop3A_316, 1 {pack_format = #tpu.pack_format<interleaved>} : vector<32xbf16> -> vector<16xf32>
        %parallel_loop3A_319 = arith.constant 64 : i32
        %parallel_loop3A_320 = arith.addi %parallel_loop3A_187, %parallel_loop3A_319 : i32
        %parallel_loop3A_321 = arith.index_cast %parallel_loop3A_320 : i32 to index
        %parallel_loop3A_322 = tpu.vector_load %arg6[%parallel_loop3A_321] {strides = array<i32>} : memref<16384xf32, #tpu.memory_space<vmem>>, vector<16xf32>,
        tpu.vector_store %arg6[%parallel_loop3A_321], %parallel_loop3A_317 {strides = array<i32>} : memref<16384xf32, #tpu.memory_space<vmem>>, vector<16xf32>,
        %parallel_loop3A_323 = arith.constant 64 : i32
        %parallel_loop3A_324 = arith.addi %parallel_loop3A_187, %parallel_loop3A_323 : i32
        %parallel_loop3A_325 = arith.constant 16 : i32
        %parallel_loop3A_326 = arith.addi %parallel_loop3A_324, %parallel_loop3A_325 : i32
        %parallel_loop3A_327 = arith.index_cast %parallel_loop3A_326 : i32 to index
        %parallel_loop3A_328 = tpu.vector_load %arg6[%parallel_loop3A_327] {strides = array<i32>} : memref<16384xf32, #tpu.memory_space<vmem>>, vector<16xf32>,
        tpu.vector_store %arg6[%parallel_loop3A_327], %parallel_loop3A_318 {strides = array<i32>} : memref<16384xf32, #tpu.memory_space<vmem>>, vector<16xf32>,
        %parallel_loop3A_329 = arith.addi %parallel_loop3A_169, %add3A_38 : vector<16xi32>
        %parallel_loop3A_330 = tpu.vector_load_idx %arg5[%parallel_loop3A_329] : memref<57600xi32, #tpu.memory_space<vmem>>[vector<16xi32>], vector<16xi32>,
        %parallel_loop3A_331 = vector.bitcast %parallel_loop3A_330 : vector<16xi32> to vector<32xbf16>
        %parallel_loop3A_332 = arith.addi %parallel_loop3A_171, %add3A_38 : vector<16xi32>
        %parallel_loop3A_333 = tpu.vector_load_idx %arg5[%parallel_loop3A_332] : memref<57600xi32, #tpu.memory_space<vmem>>[vector<16xi32>], vector<16xi32>,
        %parallel_loop3A_334 = vector.bitcast %parallel_loop3A_333 : vector<16xi32> to vector<32xbf16>
        %parallel_loop3A_335 = arith.addi %parallel_loop3A_173, %add3A_38 : vector<16xi32>
        %parallel_loop3A_336 = tpu.vector_load_idx %arg5[%parallel_loop3A_335] : memref<57600xi32, #tpu.memory_space<vmem>>[vector<16xi32>], vector<16xi32>,
        %parallel_loop3A_337 = vector.bitcast %parallel_loop3A_336 : vector<16xi32> to vector<32xbf16>
        %parallel_loop3A_338 = arith.addi %parallel_loop3A_175, %add3A_38 : vector<16xi32>
        %parallel_loop3A_339 = tpu.vector_load_idx %arg5[%parallel_loop3A_338] : memref<57600xi32, #tpu.memory_space<vmem>>[vector<16xi32>], vector<16xi32>,
        %parallel_loop3A_340 = vector.bitcast %parallel_loop3A_339 : vector<16xi32> to vector<32xbf16>
        %parallel_loop3A_341 = arith.addi %parallel_loop3A_177, %add3A_38 : vector<16xi32>
        %parallel_loop3A_342 = tpu.vector_load_idx %arg5[%parallel_loop3A_341] : memref<57600xi32, #tpu.memory_space<vmem>>[vector<16xi32>], vector<16xi32>,
        %parallel_loop3A_343 = vector.bitcast %parallel_loop3A_342 : vector<16xi32> to vector<32xbf16>
        %parallel_loop3A_344 = arith.addi %parallel_loop3A_179, %add3A_38 : vector<16xi32>
        %parallel_loop3A_345 = tpu.vector_load_idx %arg5[%parallel_loop3A_344] : memref<57600xi32, #tpu.memory_space<vmem>>[vector<16xi32>], vector<16xi32>,
        %parallel_loop3A_346 = vector.bitcast %parallel_loop3A_345 : vector<16xi32> to vector<32xbf16>
        %parallel_loop3A_347 = arith.addi %parallel_loop3A_181, %add3A_38 : vector<16xi32>
        %parallel_loop3A_348 = tpu.vector_load_idx %arg5[%parallel_loop3A_347] : memref<57600xi32, #tpu.memory_space<vmem>>[vector<16xi32>], vector<16xi32>,
        %parallel_loop3A_349 = vector.bitcast %parallel_loop3A_348 : vector<16xi32> to vector<32xbf16>
        %parallel_loop3A_350 = arith.addi %parallel_loop3A_183, %add3A_38 : vector<16xi32>
        %parallel_loop3A_351 = tpu.vector_load_idx %arg5[%parallel_loop3A_350] : memref<57600xi32, #tpu.memory_space<vmem>>[vector<16xi32>], vector<16xi32>,
        %parallel_loop3A_352 = vector.bitcast %parallel_loop3A_351 : vector<16xi32> to vector<32xbf16>
        %parallel_loop3A_353 = arith.addi %parallel_loop3A_185, %add3A_38 : vector<16xi32>
        %parallel_loop3A_354 = tpu.vector_load_idx %arg5[%parallel_loop3A_353] : memref<57600xi32, #tpu.memory_space<vmem>>[vector<16xi32>], vector<16xi32>,
        %parallel_loop3A_355 = vector.bitcast %parallel_loop3A_354 : vector<16xi32> to vector<32xbf16>
        %parallel_loop3A_356 = arith.addf %parallel_loop3A_331, %parallel_loop3A_334 : vector<32xbf16>
        %parallel_loop3A_357 = arith.addf %parallel_loop3A_337, %parallel_loop3A_340 : vector<32xbf16>
        %parallel_loop3A_358 = arith.addf %parallel_loop3A_343, %parallel_loop3A_346 : vector<32xbf16>
        %parallel_loop3A_359 = arith.addf %parallel_loop3A_349, %parallel_loop3A_352 : vector<32xbf16>
        %parallel_loop3A_360 = arith.addf %parallel_loop3A_356, %parallel_loop3A_357 : vector<32xbf16>
        %parallel_loop3A_361 = arith.addf %parallel_loop3A_358, %parallel_loop3A_359 : vector<32xbf16>
        %parallel_loop3A_362 = arith.addf %parallel_loop3A_360, %parallel_loop3A_361 : vector<32xbf16>
        %parallel_loop3A_363 = arith.addf %parallel_loop3A_362, %parallel_loop3A_355 : vector<32xbf16>
        %parallel_loop3A_364 = tpu.unpack_subelements %parallel_loop3A_363, 0 {pack_format = #tpu.pack_format<interleaved>} : vector<32xbf16> -> vector<16xf32>
        %parallel_loop3A_365 = tpu.unpack_subelements %parallel_loop3A_363, 1 {pack_format = #tpu.pack_format<interleaved>} : vector<32xbf16> -> vector<16xf32>
        %parallel_loop3A_366 = arith.constant 96 : i32
        %parallel_loop3A_367 = arith.addi %parallel_loop3A_187, %parallel_loop3A_366 : i32
        %parallel_loop3A_368 = arith.index_cast %parallel_loop3A_367 : i32 to index
        %parallel_loop3A_369 = tpu.vector_load %arg6[%parallel_loop3A_368] {strides = array<i32>} : memref<16384xf32, #tpu.memory_space<vmem>>, vector<16xf32>,
        tpu.vector_store %arg6[%parallel_loop3A_368], %parallel_loop3A_364 {strides = array<i32>} : memref<16384xf32, #tpu.memory_space<vmem>>, vector<16xf32>,
        %parallel_loop3A_370 = arith.constant 96 : i32
        %parallel_loop3A_371 = arith.addi %parallel_loop3A_187, %parallel_loop3A_370 : i32
        %parallel_loop3A_372 = arith.constant 16 : i32
        %parallel_loop3A_373 = arith.addi %parallel_loop3A_371, %parallel_loop3A_372 : i32
        %parallel_loop3A_374 = arith.index_cast %parallel_loop3A_373 : i32 to index
        %parallel_loop3A_375 = tpu.vector_load %arg6[%parallel_loop3A_374] {strides = array<i32>} : memref<16384xf32, #tpu.memory_space<vmem>>, vector<16xf32>,
        tpu.vector_store %arg6[%parallel_loop3A_374], %parallel_loop3A_365 {strides = array<i32>} : memref<16384xf32, #tpu.memory_space<vmem>>, vector<16xf32>,
      } {sc.loop_unroll_factor = 2 : i64, sc.parallel_access}
      %mul3A_103 = arith.constant 128 : i32
      %mul3A_104 = arith.muli %add3A_87, %mul3A_103 : i32
      %multiple_of3A_105 = tpu.assume_multiple %mul3A_104, 8 : i32
      %dma_start3A_106 = tpu.memref_slice %arg4[%multiple_of3A_105] : memref<12800000xf32, #tpu.memory_space<hbm>> -> memref<16384xf32, #tpu.memory_space<hbm>>
      %dma_start3A_107 = tpu.memref_slice %arg4[%multiple_of3A_105] : memref<12800000xf32, #tpu.memory_space<hbm>> -> memref<16384xf32, #tpu.memory_space<hbm>>
      tpu.enqueue_dma source(%arg6 : memref<16384xf32, #tpu.memory_space<vmem>>) target(%dma_start3A_107 : memref<16384xf32, #tpu.memory_space<hbm>>) target_semaphore(%arg12 : memref<!tpu.dma_semaphore, #tpu.memory_space<semaphore_mem>>)
      %add3A_108 = arith.constant 2 : i32
      %add3A_109 = arith.addi %add3A_80, %add3A_108 : i32
      %lt3A_110 = arith.constant 26 : i32
      %lt3A_111 = arith.cmpi slt, %add3A_109, %lt3A_110 : i32
      %convert_element_type3A_112 = arith.extui %lt3A_111 : i1 to i32
      %cond3A_113 = arith.constant 0 : i32
      %cond3A_114 = arith.cmpi ne, %convert_element_type3A_112, %cond3A_113 : i32
      scf.if %cond3A_114 {
        %add3A_158 = arith.constant 2 : i32
        %add3A_159 = arith.addi %add3A_80, %add3A_158 : i32
        %mul3A_160 = arith.constant 3125 : i32
        %mul3A_161 = arith.muli %add3A, %mul3A_160 : i32
        %mul3A_162 = arith.constant 128 : i32
        %mul3A_163 = arith.muli %add3A_159, %mul3A_162 : i32
        %min3A_164 = arith.constant 2997 : i32
        %min3A_165 = arith.minsi %mul3A_163, %min3A_164 : i32
        %add3A_166 = arith.addi %mul3A_161, %min3A_165 : i32
        %mul3A_167 = arith.constant 9 : i32
        %mul3A_168 = arith.muli %add3A_166, %mul3A_167 : i32
        %shift_right_arithmetic3A_169 = arith.constant 3 : i32
        %shift_right_arithmetic3A_170 = arith.shrsi %mul3A_168, %shift_right_arithmetic3A_169 : i32
        %shift_left3A_171 = arith.constant 3 : i32
        %shift_left3A_172 = arith.shli %shift_right_arithmetic3A_170, %shift_left3A_171 : i32
        %multiple_of3A_173 = tpu.assume_multiple %shift_left3A_172, 8 : i32
        %dma_start3A_174 = tpu.memref_slice %arg2[%multiple_of3A_173] : memref<901176xi32, #tpu.memory_space<hbm>> -> memref<1176xi32, #tpu.memory_space<hbm>>
        %dma_start3A_175 = tpu.memref_slice %arg2[%multiple_of3A_173] : memref<901176xi32, #tpu.memory_space<hbm>> -> memref<1176xi32, #tpu.memory_space<hbm>>
        tpu.enqueue_dma source(%dma_start3A_175 : memref<1176xi32, #tpu.memory_space<hbm>>) target(%arg8 : memref<1176xi32, #tpu.memory_space<vmem>>) target_semaphore(%arg10 : memref<!tpu.dma_semaphore, #tpu.memory_space<semaphore_mem>>)
      } else {
      }
      %mul3A_115 = arith.constant 2 : i32
      %mul3A_116 = arith.muli %mul3A_115, %scan3A_76 : i32
      %add3A_117 = arith.constant 1 : i32
      %add3A_118 = arith.addi %mul3A_116, %add3A_117 : i32
      %mul3A_119 = arith.constant 3125 : i32
      %mul3A_120 = arith.muli %add3A, %mul3A_119 : i32
      %mul3A_121 = arith.constant 128 : i32
      %mul3A_122 = arith.muli %add3A_118, %mul3A_121 : i32
      %min3A_123 = arith.constant 2997 : i32
      %min3A_124 = arith.minsi %mul3A_122, %min3A_123 : i32
      %add3A_125 = arith.addi %mul3A_120, %min3A_124 : i32
      %mul3A_126 = arith.constant 9 : i32
      %mul3A_127 = arith.muli %add3A_125, %mul3A_126 : i32
      %shift_right_arithmetic3A_128 = arith.constant 3 : i32
      %shift_right_arithmetic3A_129 = arith.shrsi %mul3A_127, %shift_right_arithmetic3A_128 : i32
      %shift_left3A_130 = arith.constant 3 : i32
      %shift_left3A_131 = arith.shli %shift_right_arithmetic3A_129, %shift_left3A_130 : i32
      %multiple_of3A_132 = tpu.assume_multiple %shift_left3A_131, 8 : i32
      %mul3A_133 = arith.constant 9 : i32
      %mul3A_134 = arith.muli %add3A_125, %mul3A_133 : i32
      %sub3A_135 = arith.subi %mul3A_134, %multiple_of3A_132 : i32
      %dma_wait3A_136 = tpu.memref_slice %arg2[%multiple_of3A_132] : memref<901176xi32, #tpu.memory_space<hbm>> -> memref<1176xi32, #tpu.memory_space<hbm>>
      %dma_wait3A_137 = tpu.memref_slice %arg2[%multiple_of3A_132] : memref<901176xi32, #tpu.memory_space<hbm>> -> memref<1176xi32, #tpu.memory_space<hbm>>
      tpu.wait_dma2 semaphore(%arg11 : memref<!tpu.dma_semaphore, #tpu.memory_space<semaphore_mem>>) src(%dma_wait3A_137 : memref<1176xi32, #tpu.memory_space<hbm>>) dst(%arg9 : memref<1176xi32, #tpu.memory_space<vmem>>)
      %ge3A_138 = arith.constant 1 : i32
      %ge3A_139 = arith.cmpi sge, %scan3A_76, %ge3A_138 : i32
      %convert_element_type3A_140 = arith.extui %ge3A_139 : i1 to i32
      %cond3A_141 = arith.constant 0 : i32
      %cond3A_142 = arith.cmpi ne, %convert_element_type3A_140, %cond3A_141 : i32
      scf.if %cond3A_142 {
        %dma_wait3A_158 = arith.constant 0 : i32
        %dma_wait3A_159 = tpu.memref_slice %arg4[%dma_wait3A_158] : memref<12800000xf32, #tpu.memory_space<hbm>> -> memref<16384xf32, #tpu.memory_space<hbm>>
        %dma_wait3A_160 = arith.constant 0 : i32
        %dma_wait3A_161 = tpu.memref_slice %arg4[%dma_wait3A_160] : memref<12800000xf32, #tpu.memory_space<hbm>> -> memref<16384xf32, #tpu.memory_space<hbm>>
        tpu.wait_dma2 semaphore(%arg13 : memref<!tpu.dma_semaphore, #tpu.memory_space<semaphore_mem>>) src(%arg7 : memref<16384xf32, #tpu.memory_space<vmem>>) dst(%dma_wait3A_161 : memref<16384xf32, #tpu.memory_space<hbm>>)
      } else {
      }
      %parallel_loop3A_143 = arith.constant 0 : i32
      %parallel_loop3A_144 = arith.constant 128 : i32
      %parallel_loop3A_145 = arith.constant 1 : i32
      scf.for %parallel_loop3A_158 = %parallel_loop3A_143 to %parallel_loop3A_144 step %parallel_loop3A_145  : i32 {
        %parallel_loop3A_159 = arith.constant 9 : i32
        %parallel_loop3A_160 = arith.muli %parallel_loop3A_158, %parallel_loop3A_159 : i32
        %parallel_loop3A_161 = arith.addi %sub3A_135, %parallel_loop3A_160 : i32
        %parallel_loop3A_162 = arith.index_cast %parallel_loop3A_161 : i32 to index
        %parallel_loop3A_163 = tpu.vector_load %arg9[%parallel_loop3A_162] {strides = array<i32>} : memref<1176xi32, #tpu.memory_space<vmem>>, vector<16xi32>,
        %parallel_loop3A_164 = arith.constant 64 : i32
        %parallel_loop3A_165 = vector.broadcast %parallel_loop3A_164 : i32 to vector<16xi32>
        %parallel_loop3A_166 = arith.muli %parallel_loop3A_163, %parallel_loop3A_165 : vector<16xi32>
        %parallel_loop3A_167 = arith.addi %parallel_loop3A_166, %mul3A_8 : vector<16xi32>
        %parallel_loop3A_168 = vector.shape_cast %broadcast_in_dim3A_10 : vector<16x1xi32> to vector<16xi32>
        %parallel_loop3A_169 = tpu.dynamic_gather %parallel_loop3A_167[%parallel_loop3A_168] in [0] : vector<16xi32>, vector<16xi32> -> vector<16xi32>
        %parallel_loop3A_170 = vector.shape_cast %broadcast_in_dim3A_12 : vector<16x1xi32> to vector<16xi32>
        %parallel_loop3A_171 = tpu.dynamic_gather %parallel_loop3A_167[%parallel_loop3A_170] in [0] : vector<16xi32>, vector<16xi32> -> vector<16xi32>
        %parallel_loop3A_172 = vector.shape_cast %broadcast_in_dim3A_14 : vector<16x1xi32> to vector<16xi32>
        %parallel_loop3A_173 = tpu.dynamic_gather %parallel_loop3A_167[%parallel_loop3A_172] in [0] : vector<16xi32>, vector<16xi32> -> vector<16xi32>
        %parallel_loop3A_174 = vector.shape_cast %broadcast_in_dim3A_16 : vector<16x1xi32> to vector<16xi32>
        %parallel_loop3A_175 = tpu.dynamic_gather %parallel_loop3A_167[%parallel_loop3A_174] in [0] : vector<16xi32>, vector<16xi32> -> vector<16xi32>
        %parallel_loop3A_176 = vector.shape_cast %broadcast_in_dim3A_18 : vector<16x1xi32> to vector<16xi32>
        %parallel_loop3A_177 = tpu.dynamic_gather %parallel_loop3A_167[%parallel_loop3A_176] in [0] : vector<16xi32>, vector<16xi32> -> vector<16xi32>
        %parallel_loop3A_178 = vector.shape_cast %broadcast_in_dim3A_20 : vector<16x1xi32> to vector<16xi32>
        %parallel_loop3A_179 = tpu.dynamic_gather %parallel_loop3A_167[%parallel_loop3A_178] in [0] : vector<16xi32>, vector<16xi32> -> vector<16xi32>
        %parallel_loop3A_180 = vector.shape_cast %broadcast_in_dim3A_22 : vector<16x1xi32> to vector<16xi32>
        %parallel_loop3A_181 = tpu.dynamic_gather %parallel_loop3A_167[%parallel_loop3A_180] in [0] : vector<16xi32>, vector<16xi32> -> vector<16xi32>
        %parallel_loop3A_182 = vector.shape_cast %broadcast_in_dim3A_24 : vector<16x1xi32> to vector<16xi32>
        %parallel_loop3A_183 = tpu.dynamic_gather %parallel_loop3A_167[%parallel_loop3A_182] in [0] : vector<16xi32>, vector<16xi32> -> vector<16xi32>
        %parallel_loop3A_184 = vector.shape_cast %broadcast_in_dim3A_26 : vector<16x1xi32> to vector<16xi32>
        %parallel_loop3A_185 = tpu.dynamic_gather %parallel_loop3A_167[%parallel_loop3A_184] in [0] : vector<16xi32>, vector<16xi32> -> vector<16xi32>
        %parallel_loop3A_186 = arith.constant 128 : i32
        %parallel_loop3A_187 = arith.muli %parallel_loop3A_158, %parallel_loop3A_186 : i32
        %parallel_loop3A_188 = arith.addi %parallel_loop3A_169, %add3A_29 : vector<16xi32>
        %parallel_loop3A_189 = tpu.vector_load_idx %arg5[%parallel_loop3A_188] : memref<57600xi32, #tpu.memory_space<vmem>>[vector<16xi32>], vector<16xi32>,
        %parallel_loop3A_190 = vector.bitcast %parallel_loop3A_189 : vector<16xi32> to vector<32xbf16>
        %parallel_loop3A_191 = arith.addi %parallel_loop3A_171, %add3A_29 : vector<16xi32>
        %parallel_loop3A_192 = tpu.vector_load_idx %arg5[%parallel_loop3A_191] : memref<57600xi32, #tpu.memory_space<vmem>>[vector<16xi32>], vector<16xi32>,
        %parallel_loop3A_193 = vector.bitcast %parallel_loop3A_192 : vector<16xi32> to vector<32xbf16>
        %parallel_loop3A_194 = arith.addi %parallel_loop3A_173, %add3A_29 : vector<16xi32>
        %parallel_loop3A_195 = tpu.vector_load_idx %arg5[%parallel_loop3A_194] : memref<57600xi32, #tpu.memory_space<vmem>>[vector<16xi32>], vector<16xi32>,
        %parallel_loop3A_196 = vector.bitcast %parallel_loop3A_195 : vector<16xi32> to vector<32xbf16>
        %parallel_loop3A_197 = arith.addi %parallel_loop3A_175, %add3A_29 : vector<16xi32>
        %parallel_loop3A_198 = tpu.vector_load_idx %arg5[%parallel_loop3A_197] : memref<57600xi32, #tpu.memory_space<vmem>>[vector<16xi32>], vector<16xi32>,
        %parallel_loop3A_199 = vector.bitcast %parallel_loop3A_198 : vector<16xi32> to vector<32xbf16>
        %parallel_loop3A_200 = arith.addi %parallel_loop3A_177, %add3A_29 : vector<16xi32>
        %parallel_loop3A_201 = tpu.vector_load_idx %arg5[%parallel_loop3A_200] : memref<57600xi32, #tpu.memory_space<vmem>>[vector<16xi32>], vector<16xi32>,
        %parallel_loop3A_202 = vector.bitcast %parallel_loop3A_201 : vector<16xi32> to vector<32xbf16>
        %parallel_loop3A_203 = arith.addi %parallel_loop3A_179, %add3A_29 : vector<16xi32>
        %parallel_loop3A_204 = tpu.vector_load_idx %arg5[%parallel_loop3A_203] : memref<57600xi32, #tpu.memory_space<vmem>>[vector<16xi32>], vector<16xi32>,
        %parallel_loop3A_205 = vector.bitcast %parallel_loop3A_204 : vector<16xi32> to vector<32xbf16>
        %parallel_loop3A_206 = arith.addi %parallel_loop3A_181, %add3A_29 : vector<16xi32>
        %parallel_loop3A_207 = tpu.vector_load_idx %arg5[%parallel_loop3A_206] : memref<57600xi32, #tpu.memory_space<vmem>>[vector<16xi32>], vector<16xi32>,
        %parallel_loop3A_208 = vector.bitcast %parallel_loop3A_207 : vector<16xi32> to vector<32xbf16>
        %parallel_loop3A_209 = arith.addi %parallel_loop3A_183, %add3A_29 : vector<16xi32>
        %parallel_loop3A_210 = tpu.vector_load_idx %arg5[%parallel_loop3A_209] : memref<57600xi32, #tpu.memory_space<vmem>>[vector<16xi32>], vector<16xi32>,
        %parallel_loop3A_211 = vector.bitcast %parallel_loop3A_210 : vector<16xi32> to vector<32xbf16>
        %parallel_loop3A_212 = arith.addi %parallel_loop3A_185, %add3A_29 : vector<16xi32>
        %parallel_loop3A_213 = tpu.vector_load_idx %arg5[%parallel_loop3A_212] : memref<57600xi32, #tpu.memory_space<vmem>>[vector<16xi32>], vector<16xi32>,
        %parallel_loop3A_214 = vector.bitcast %parallel_loop3A_213 : vector<16xi32> to vector<32xbf16>
        %parallel_loop3A_215 = arith.addf %parallel_loop3A_190, %parallel_loop3A_193 : vector<32xbf16>
        %parallel_loop3A_216 = arith.addf %parallel_loop3A_196, %parallel_loop3A_199 : vector<32xbf16>
        %parallel_loop3A_217 = arith.addf %parallel_loop3A_202, %parallel_loop3A_205 : vector<32xbf16>
        %parallel_loop3A_218 = arith.addf %parallel_loop3A_208, %parallel_loop3A_211 : vector<32xbf16>
        %parallel_loop3A_219 = arith.addf %parallel_loop3A_215, %parallel_loop3A_216 : vector<32xbf16>
        %parallel_loop3A_220 = arith.addf %parallel_loop3A_217, %parallel_loop3A_218 : vector<32xbf16>
        %parallel_loop3A_221 = arith.addf %parallel_loop3A_219, %parallel_loop3A_220 : vector<32xbf16>
        %parallel_loop3A_222 = arith.addf %parallel_loop3A_221, %parallel_loop3A_214 : vector<32xbf16>
        %parallel_loop3A_223 = tpu.unpack_subelements %parallel_loop3A_222, 0 {pack_format = #tpu.pack_format<interleaved>} : vector<32xbf16> -> vector<16xf32>
        %parallel_loop3A_224 = tpu.unpack_subelements %parallel_loop3A_222, 1 {pack_format = #tpu.pack_format<interleaved>} : vector<32xbf16> -> vector<16xf32>
        %parallel_loop3A_225 = arith.constant 0 : i32
        %parallel_loop3A_226 = arith.addi %parallel_loop3A_187, %parallel_loop3A_225 : i32
        %parallel_loop3A_227 = arith.index_cast %parallel_loop3A_226 : i32 to index
        %parallel_loop3A_228 = tpu.vector_load %arg7[%parallel_loop3A_227] {strides = array<i32>} : memref<16384xf32, #tpu.memory_space<vmem>>, vector<16xf32>,
        tpu.vector_store %arg7[%parallel_loop3A_227], %parallel_loop3A_223 {strides = array<i32>} : memref<16384xf32, #tpu.memory_space<vmem>>, vector<16xf32>,
        %parallel_loop3A_229 = arith.constant 0 : i32
        %parallel_loop3A_230 = arith.addi %parallel_loop3A_187, %parallel_loop3A_229 : i32
        %parallel_loop3A_231 = arith.constant 16 : i32
        %parallel_loop3A_232 = arith.addi %parallel_loop3A_230, %parallel_loop3A_231 : i32
        %parallel_loop3A_233 = arith.index_cast %parallel_loop3A_232 : i32 to index
        %parallel_loop3A_234 = tpu.vector_load %arg7[%parallel_loop3A_233] {strides = array<i32>} : memref<16384xf32, #tpu.memory_space<vmem>>, vector<16xf32>,
        tpu.vector_store %arg7[%parallel_loop3A_233], %parallel_loop3A_224 {strides = array<i32>} : memref<16384xf32, #tpu.memory_space<vmem>>, vector<16xf32>,
        %parallel_loop3A_235 = arith.addi %parallel_loop3A_169, %add3A_32 : vector<16xi32>
        %parallel_loop3A_236 = tpu.vector_load_idx %arg5[%parallel_loop3A_235] : memref<57600xi32, #tpu.memory_space<vmem>>[vector<16xi32>], vector<16xi32>,
        %parallel_loop3A_237 = vector.bitcast %parallel_loop3A_236 : vector<16xi32> to vector<32xbf16>
        %parallel_loop3A_238 = arith.addi %parallel_loop3A_171, %add3A_32 : vector<16xi32>
        %parallel_loop3A_239 = tpu.vector_load_idx %arg5[%parallel_loop3A_238] : memref<57600xi32, #tpu.memory_space<vmem>>[vector<16xi32>], vector<16xi32>,
        %parallel_loop3A_240 = vector.bitcast %parallel_loop3A_239 : vector<16xi32> to vector<32xbf16>
        %parallel_loop3A_241 = arith.addi %parallel_loop3A_173, %add3A_32 : vector<16xi32>
        %parallel_loop3A_242 = tpu.vector_load_idx %arg5[%parallel_loop3A_241] : memref<57600xi32, #tpu.memory_space<vmem>>[vector<16xi32>], vector<16xi32>,
        %parallel_loop3A_243 = vector.bitcast %parallel_loop3A_242 : vector<16xi32> to vector<32xbf16>
        %parallel_loop3A_244 = arith.addi %parallel_loop3A_175, %add3A_32 : vector<16xi32>
        %parallel_loop3A_245 = tpu.vector_load_idx %arg5[%parallel_loop3A_244] : memref<57600xi32, #tpu.memory_space<vmem>>[vector<16xi32>], vector<16xi32>,
        %parallel_loop3A_246 = vector.bitcast %parallel_loop3A_245 : vector<16xi32> to vector<32xbf16>
        %parallel_loop3A_247 = arith.addi %parallel_loop3A_177, %add3A_32 : vector<16xi32>
        %parallel_loop3A_248 = tpu.vector_load_idx %arg5[%parallel_loop3A_247] : memref<57600xi32, #tpu.memory_space<vmem>>[vector<16xi32>], vector<16xi32>,
        %parallel_loop3A_249 = vector.bitcast %parallel_loop3A_248 : vector<16xi32> to vector<32xbf16>
        %parallel_loop3A_250 = arith.addi %parallel_loop3A_179, %add3A_32 : vector<16xi32>
        %parallel_loop3A_251 = tpu.vector_load_idx %arg5[%parallel_loop3A_250] : memref<57600xi32, #tpu.memory_space<vmem>>[vector<16xi32>], vector<16xi32>,
        %parallel_loop3A_252 = vector.bitcast %parallel_loop3A_251 : vector<16xi32> to vector<32xbf16>
        %parallel_loop3A_253 = arith.addi %parallel_loop3A_181, %add3A_32 : vector<16xi32>
        %parallel_loop3A_254 = tpu.vector_load_idx %arg5[%parallel_loop3A_253] : memref<57600xi32, #tpu.memory_space<vmem>>[vector<16xi32>], vector<16xi32>,
        %parallel_loop3A_255 = vector.bitcast %parallel_loop3A_254 : vector<16xi32> to vector<32xbf16>
        %parallel_loop3A_256 = arith.addi %parallel_loop3A_183, %add3A_32 : vector<16xi32>
        %parallel_loop3A_257 = tpu.vector_load_idx %arg5[%parallel_loop3A_256] : memref<57600xi32, #tpu.memory_space<vmem>>[vector<16xi32>], vector<16xi32>,
        %parallel_loop3A_258 = vector.bitcast %parallel_loop3A_257 : vector<16xi32> to vector<32xbf16>
        %parallel_loop3A_259 = arith.addi %parallel_loop3A_185, %add3A_32 : vector<16xi32>
        %parallel_loop3A_260 = tpu.vector_load_idx %arg5[%parallel_loop3A_259] : memref<57600xi32, #tpu.memory_space<vmem>>[vector<16xi32>], vector<16xi32>,
        %parallel_loop3A_261 = vector.bitcast %parallel_loop3A_260 : vector<16xi32> to vector<32xbf16>
        %parallel_loop3A_262 = arith.addf %parallel_loop3A_237, %parallel_loop3A_240 : vector<32xbf16>
        %parallel_loop3A_263 = arith.addf %parallel_loop3A_243, %parallel_loop3A_246 : vector<32xbf16>
        %parallel_loop3A_264 = arith.addf %parallel_loop3A_249, %parallel_loop3A_252 : vector<32xbf16>
        %parallel_loop3A_265 = arith.addf %parallel_loop3A_255, %parallel_loop3A_258 : vector<32xbf16>
        %parallel_loop3A_266 = arith.addf %parallel_loop3A_262, %parallel_loop3A_263 : vector<32xbf16>
        %parallel_loop3A_267 = arith.addf %parallel_loop3A_264, %parallel_loop3A_265 : vector<32xbf16>
        %parallel_loop3A_268 = arith.addf %parallel_loop3A_266, %parallel_loop3A_267 : vector<32xbf16>
        %parallel_loop3A_269 = arith.addf %parallel_loop3A_268, %parallel_loop3A_261 : vector<32xbf16>
        %parallel_loop3A_270 = tpu.unpack_subelements %parallel_loop3A_269, 0 {pack_format = #tpu.pack_format<interleaved>} : vector<32xbf16> -> vector<16xf32>
        %parallel_loop3A_271 = tpu.unpack_subelements %parallel_loop3A_269, 1 {pack_format = #tpu.pack_format<interleaved>} : vector<32xbf16> -> vector<16xf32>
        %parallel_loop3A_272 = arith.constant 32 : i32
        %parallel_loop3A_273 = arith.addi %parallel_loop3A_187, %parallel_loop3A_272 : i32
        %parallel_loop3A_274 = arith.index_cast %parallel_loop3A_273 : i32 to index
        %parallel_loop3A_275 = tpu.vector_load %arg7[%parallel_loop3A_274] {strides = array<i32>} : memref<16384xf32, #tpu.memory_space<vmem>>, vector<16xf32>,
        tpu.vector_store %arg7[%parallel_loop3A_274], %parallel_loop3A_270 {strides = array<i32>} : memref<16384xf32, #tpu.memory_space<vmem>>, vector<16xf32>,
        %parallel_loop3A_276 = arith.constant 32 : i32
        %parallel_loop3A_277 = arith.addi %parallel_loop3A_187, %parallel_loop3A_276 : i32
        %parallel_loop3A_278 = arith.constant 16 : i32
        %parallel_loop3A_279 = arith.addi %parallel_loop3A_277, %parallel_loop3A_278 : i32
        %parallel_loop3A_280 = arith.index_cast %parallel_loop3A_279 : i32 to index
        %parallel_loop3A_281 = tpu.vector_load %arg7[%parallel_loop3A_280] {strides = array<i32>} : memref<16384xf32, #tpu.memory_space<vmem>>, vector<16xf32>,
        tpu.vector_store %arg7[%parallel_loop3A_280], %parallel_loop3A_271 {strides = array<i32>} : memref<16384xf32, #tpu.memory_space<vmem>>, vector<16xf32>,
        %parallel_loop3A_282 = arith.addi %parallel_loop3A_169, %add3A_35 : vector<16xi32>
        %parallel_loop3A_283 = tpu.vector_load_idx %arg5[%parallel_loop3A_282] : memref<57600xi32, #tpu.memory_space<vmem>>[vector<16xi32>], vector<16xi32>,
        %parallel_loop3A_284 = vector.bitcast %parallel_loop3A_283 : vector<16xi32> to vector<32xbf16>
        %parallel_loop3A_285 = arith.addi %parallel_loop3A_171, %add3A_35 : vector<16xi32>
        %parallel_loop3A_286 = tpu.vector_load_idx %arg5[%parallel_loop3A_285] : memref<57600xi32, #tpu.memory_space<vmem>>[vector<16xi32>], vector<16xi32>,
        %parallel_loop3A_287 = vector.bitcast %parallel_loop3A_286 : vector<16xi32> to vector<32xbf16>
        %parallel_loop3A_288 = arith.addi %parallel_loop3A_173, %add3A_35 : vector<16xi32>
        %parallel_loop3A_289 = tpu.vector_load_idx %arg5[%parallel_loop3A_288] : memref<57600xi32, #tpu.memory_space<vmem>>[vector<16xi32>], vector<16xi32>,
        %parallel_loop3A_290 = vector.bitcast %parallel_loop3A_289 : vector<16xi32> to vector<32xbf16>
        %parallel_loop3A_291 = arith.addi %parallel_loop3A_175, %add3A_35 : vector<16xi32>
        %parallel_loop3A_292 = tpu.vector_load_idx %arg5[%parallel_loop3A_291] : memref<57600xi32, #tpu.memory_space<vmem>>[vector<16xi32>], vector<16xi32>,
        %parallel_loop3A_293 = vector.bitcast %parallel_loop3A_292 : vector<16xi32> to vector<32xbf16>
        %parallel_loop3A_294 = arith.addi %parallel_loop3A_177, %add3A_35 : vector<16xi32>
        %parallel_loop3A_295 = tpu.vector_load_idx %arg5[%parallel_loop3A_294] : memref<57600xi32, #tpu.memory_space<vmem>>[vector<16xi32>], vector<16xi32>,
        %parallel_loop3A_296 = vector.bitcast %parallel_loop3A_295 : vector<16xi32> to vector<32xbf16>
        %parallel_loop3A_297 = arith.addi %parallel_loop3A_179, %add3A_35 : vector<16xi32>
        %parallel_loop3A_298 = tpu.vector_load_idx %arg5[%parallel_loop3A_297] : memref<57600xi32, #tpu.memory_space<vmem>>[vector<16xi32>], vector<16xi32>,
        %parallel_loop3A_299 = vector.bitcast %parallel_loop3A_298 : vector<16xi32> to vector<32xbf16>
        %parallel_loop3A_300 = arith.addi %parallel_loop3A_181, %add3A_35 : vector<16xi32>
        %parallel_loop3A_301 = tpu.vector_load_idx %arg5[%parallel_loop3A_300] : memref<57600xi32, #tpu.memory_space<vmem>>[vector<16xi32>], vector<16xi32>,
        %parallel_loop3A_302 = vector.bitcast %parallel_loop3A_301 : vector<16xi32> to vector<32xbf16>
        %parallel_loop3A_303 = arith.addi %parallel_loop3A_183, %add3A_35 : vector<16xi32>
        %parallel_loop3A_304 = tpu.vector_load_idx %arg5[%parallel_loop3A_303] : memref<57600xi32, #tpu.memory_space<vmem>>[vector<16xi32>], vector<16xi32>,
        %parallel_loop3A_305 = vector.bitcast %parallel_loop3A_304 : vector<16xi32> to vector<32xbf16>
        %parallel_loop3A_306 = arith.addi %parallel_loop3A_185, %add3A_35 : vector<16xi32>
        %parallel_loop3A_307 = tpu.vector_load_idx %arg5[%parallel_loop3A_306] : memref<57600xi32, #tpu.memory_space<vmem>>[vector<16xi32>], vector<16xi32>,
        %parallel_loop3A_308 = vector.bitcast %parallel_loop3A_307 : vector<16xi32> to vector<32xbf16>
        %parallel_loop3A_309 = arith.addf %parallel_loop3A_284, %parallel_loop3A_287 : vector<32xbf16>
        %parallel_loop3A_310 = arith.addf %parallel_loop3A_290, %parallel_loop3A_293 : vector<32xbf16>
        %parallel_loop3A_311 = arith.addf %parallel_loop3A_296, %parallel_loop3A_299 : vector<32xbf16>
        %parallel_loop3A_312 = arith.addf %parallel_loop3A_302, %parallel_loop3A_305 : vector<32xbf16>
        %parallel_loop3A_313 = arith.addf %parallel_loop3A_309, %parallel_loop3A_310 : vector<32xbf16>
        %parallel_loop3A_314 = arith.addf %parallel_loop3A_311, %parallel_loop3A_312 : vector<32xbf16>
        %parallel_loop3A_315 = arith.addf %parallel_loop3A_313, %parallel_loop3A_314 : vector<32xbf16>
        %parallel_loop3A_316 = arith.addf %parallel_loop3A_315, %parallel_loop3A_308 : vector<32xbf16>
        %parallel_loop3A_317 = tpu.unpack_subelements %parallel_loop3A_316, 0 {pack_format = #tpu.pack_format<interleaved>} : vector<32xbf16> -> vector<16xf32>
        %parallel_loop3A_318 = tpu.unpack_subelements %parallel_loop3A_316, 1 {pack_format = #tpu.pack_format<interleaved>} : vector<32xbf16> -> vector<16xf32>
        %parallel_loop3A_319 = arith.constant 64 : i32
        %parallel_loop3A_320 = arith.addi %parallel_loop3A_187, %parallel_loop3A_319 : i32
        %parallel_loop3A_321 = arith.index_cast %parallel_loop3A_320 : i32 to index
        %parallel_loop3A_322 = tpu.vector_load %arg7[%parallel_loop3A_321] {strides = array<i32>} : memref<16384xf32, #tpu.memory_space<vmem>>, vector<16xf32>,
        tpu.vector_store %arg7[%parallel_loop3A_321], %parallel_loop3A_317 {strides = array<i32>} : memref<16384xf32, #tpu.memory_space<vmem>>, vector<16xf32>,
        %parallel_loop3A_323 = arith.constant 64 : i32
        %parallel_loop3A_324 = arith.addi %parallel_loop3A_187, %parallel_loop3A_323 : i32
        %parallel_loop3A_325 = arith.constant 16 : i32
        %parallel_loop3A_326 = arith.addi %parallel_loop3A_324, %parallel_loop3A_325 : i32
        %parallel_loop3A_327 = arith.index_cast %parallel_loop3A_326 : i32 to index
        %parallel_loop3A_328 = tpu.vector_load %arg7[%parallel_loop3A_327] {strides = array<i32>} : memref<16384xf32, #tpu.memory_space<vmem>>, vector<16xf32>,
        tpu.vector_store %arg7[%parallel_loop3A_327], %parallel_loop3A_318 {strides = array<i32>} : memref<16384xf32, #tpu.memory_space<vmem>>, vector<16xf32>,
        %parallel_loop3A_329 = arith.addi %parallel_loop3A_169, %add3A_38 : vector<16xi32>
        %parallel_loop3A_330 = tpu.vector_load_idx %arg5[%parallel_loop3A_329] : memref<57600xi32, #tpu.memory_space<vmem>>[vector<16xi32>], vector<16xi32>,
        %parallel_loop3A_331 = vector.bitcast %parallel_loop3A_330 : vector<16xi32> to vector<32xbf16>
        %parallel_loop3A_332 = arith.addi %parallel_loop3A_171, %add3A_38 : vector<16xi32>
        %parallel_loop3A_333 = tpu.vector_load_idx %arg5[%parallel_loop3A_332] : memref<57600xi32, #tpu.memory_space<vmem>>[vector<16xi32>], vector<16xi32>,
        %parallel_loop3A_334 = vector.bitcast %parallel_loop3A_333 : vector<16xi32> to vector<32xbf16>
        %parallel_loop3A_335 = arith.addi %parallel_loop3A_173, %add3A_38 : vector<16xi32>
        %parallel_loop3A_336 = tpu.vector_load_idx %arg5[%parallel_loop3A_335] : memref<57600xi32, #tpu.memory_space<vmem>>[vector<16xi32>], vector<16xi32>,
        %parallel_loop3A_337 = vector.bitcast %parallel_loop3A_336 : vector<16xi32> to vector<32xbf16>
        %parallel_loop3A_338 = arith.addi %parallel_loop3A_175, %add3A_38 : vector<16xi32>
        %parallel_loop3A_339 = tpu.vector_load_idx %arg5[%parallel_loop3A_338] : memref<57600xi32, #tpu.memory_space<vmem>>[vector<16xi32>], vector<16xi32>,
        %parallel_loop3A_340 = vector.bitcast %parallel_loop3A_339 : vector<16xi32> to vector<32xbf16>
        %parallel_loop3A_341 = arith.addi %parallel_loop3A_177, %add3A_38 : vector<16xi32>
        %parallel_loop3A_342 = tpu.vector_load_idx %arg5[%parallel_loop3A_341] : memref<57600xi32, #tpu.memory_space<vmem>>[vector<16xi32>], vector<16xi32>,
        %parallel_loop3A_343 = vector.bitcast %parallel_loop3A_342 : vector<16xi32> to vector<32xbf16>
        %parallel_loop3A_344 = arith.addi %parallel_loop3A_179, %add3A_38 : vector<16xi32>
        %parallel_loop3A_345 = tpu.vector_load_idx %arg5[%parallel_loop3A_344] : memref<57600xi32, #tpu.memory_space<vmem>>[vector<16xi32>], vector<16xi32>,
        %parallel_loop3A_346 = vector.bitcast %parallel_loop3A_345 : vector<16xi32> to vector<32xbf16>
        %parallel_loop3A_347 = arith.addi %parallel_loop3A_181, %add3A_38 : vector<16xi32>
        %parallel_loop3A_348 = tpu.vector_load_idx %arg5[%parallel_loop3A_347] : memref<57600xi32, #tpu.memory_space<vmem>>[vector<16xi32>], vector<16xi32>,
        %parallel_loop3A_349 = vector.bitcast %parallel_loop3A_348 : vector<16xi32> to vector<32xbf16>
        %parallel_loop3A_350 = arith.addi %parallel_loop3A_183, %add3A_38 : vector<16xi32>
        %parallel_loop3A_351 = tpu.vector_load_idx %arg5[%parallel_loop3A_350] : memref<57600xi32, #tpu.memory_space<vmem>>[vector<16xi32>], vector<16xi32>,
        %parallel_loop3A_352 = vector.bitcast %parallel_loop3A_351 : vector<16xi32> to vector<32xbf16>
        %parallel_loop3A_353 = arith.addi %parallel_loop3A_185, %add3A_38 : vector<16xi32>
        %parallel_loop3A_354 = tpu.vector_load_idx %arg5[%parallel_loop3A_353] : memref<57600xi32, #tpu.memory_space<vmem>>[vector<16xi32>], vector<16xi32>,
        %parallel_loop3A_355 = vector.bitcast %parallel_loop3A_354 : vector<16xi32> to vector<32xbf16>
        %parallel_loop3A_356 = arith.addf %parallel_loop3A_331, %parallel_loop3A_334 : vector<32xbf16>
        %parallel_loop3A_357 = arith.addf %parallel_loop3A_337, %parallel_loop3A_340 : vector<32xbf16>
        %parallel_loop3A_358 = arith.addf %parallel_loop3A_343, %parallel_loop3A_346 : vector<32xbf16>
        %parallel_loop3A_359 = arith.addf %parallel_loop3A_349, %parallel_loop3A_352 : vector<32xbf16>
        %parallel_loop3A_360 = arith.addf %parallel_loop3A_356, %parallel_loop3A_357 : vector<32xbf16>
        %parallel_loop3A_361 = arith.addf %parallel_loop3A_358, %parallel_loop3A_359 : vector<32xbf16>
        %parallel_loop3A_362 = arith.addf %parallel_loop3A_360, %parallel_loop3A_361 : vector<32xbf16>
        %parallel_loop3A_363 = arith.addf %parallel_loop3A_362, %parallel_loop3A_355 : vector<32xbf16>
        %parallel_loop3A_364 = tpu.unpack_subelements %parallel_loop3A_363, 0 {pack_format = #tpu.pack_format<interleaved>} : vector<32xbf16> -> vector<16xf32>
        %parallel_loop3A_365 = tpu.unpack_subelements %parallel_loop3A_363, 1 {pack_format = #tpu.pack_format<interleaved>} : vector<32xbf16> -> vector<16xf32>
        %parallel_loop3A_366 = arith.constant 96 : i32
        %parallel_loop3A_367 = arith.addi %parallel_loop3A_187, %parallel_loop3A_366 : i32
        %parallel_loop3A_368 = arith.index_cast %parallel_loop3A_367 : i32 to index
        %parallel_loop3A_369 = tpu.vector_load %arg7[%parallel_loop3A_368] {strides = array<i32>} : memref<16384xf32, #tpu.memory_space<vmem>>, vector<16xf32>,
        tpu.vector_store %arg7[%parallel_loop3A_368], %parallel_loop3A_364 {strides = array<i32>} : memref<16384xf32, #tpu.memory_space<vmem>>, vector<16xf32>,
        %parallel_loop3A_370 = arith.constant 96 : i32
        %parallel_loop3A_371 = arith.addi %parallel_loop3A_187, %parallel_loop3A_370 : i32
        %parallel_loop3A_372 = arith.constant 16 : i32
        %parallel_loop3A_373 = arith.addi %parallel_loop3A_371, %parallel_loop3A_372 : i32
        %parallel_loop3A_374 = arith.index_cast %parallel_loop3A_373 : i32 to index
        %parallel_loop3A_375 = tpu.vector_load %arg7[%parallel_loop3A_374] {strides = array<i32>} : memref<16384xf32, #tpu.memory_space<vmem>>, vector<16xf32>,
        tpu.vector_store %arg7[%parallel_loop3A_374], %parallel_loop3A_365 {strides = array<i32>} : memref<16384xf32, #tpu.memory_space<vmem>>, vector<16xf32>,
      } {sc.loop_unroll_factor = 2 : i64, sc.parallel_access}
      %mul3A_146 = arith.constant 128 : i32
      %mul3A_147 = arith.muli %add3A_125, %mul3A_146 : i32
      %multiple_of3A_148 = tpu.assume_multiple %mul3A_147, 8 : i32
      %dma_start3A_149 = tpu.memref_slice %arg4[%multiple_of3A_148] : memref<12800000xf32, #tpu.memory_space<hbm>> -> memref<16384xf32, #tpu.memory_space<hbm>>
      %dma_start3A_150 = tpu.memref_slice %arg4[%multiple_of3A_148] : memref<12800000xf32, #tpu.memory_space<hbm>> -> memref<16384xf32, #tpu.memory_space<hbm>>
      tpu.enqueue_dma source(%arg7 : memref<16384xf32, #tpu.memory_space<vmem>>) target(%dma_start3A_150 : memref<16384xf32, #tpu.memory_space<hbm>>) target_semaphore(%arg13 : memref<!tpu.dma_semaphore, #tpu.memory_space<semaphore_mem>>)
      %add3A_151 = arith.constant 2 : i32
      %add3A_152 = arith.addi %add3A_118, %add3A_151 : i32
      %lt3A_153 = arith.constant 26 : i32
      %lt3A_154 = arith.cmpi slt, %add3A_152, %lt3A_153 : i32
      %convert_element_type3A_155 = arith.extui %lt3A_154 : i1 to i32
      %cond3A_156 = arith.constant 0 : i32
      %cond3A_157 = arith.cmpi ne, %convert_element_type3A_155, %cond3A_156 : i32
      scf.if %cond3A_157 {
        %add3A_158 = arith.constant 2 : i32
        %add3A_159 = arith.addi %add3A_118, %add3A_158 : i32
        %mul3A_160 = arith.constant 3125 : i32
        %mul3A_161 = arith.muli %add3A, %mul3A_160 : i32
        %mul3A_162 = arith.constant 128 : i32
        %mul3A_163 = arith.muli %add3A_159, %mul3A_162 : i32
        %min3A_164 = arith.constant 2997 : i32
        %min3A_165 = arith.minsi %mul3A_163, %min3A_164 : i32
        %add3A_166 = arith.addi %mul3A_161, %min3A_165 : i32
        %mul3A_167 = arith.constant 9 : i32
        %mul3A_168 = arith.muli %add3A_166, %mul3A_167 : i32
        %shift_right_arithmetic3A_169 = arith.constant 3 : i32
        %shift_right_arithmetic3A_170 = arith.shrsi %mul3A_168, %shift_right_arithmetic3A_169 : i32
        %shift_left3A_171 = arith.constant 3 : i32
        %shift_left3A_172 = arith.shli %shift_right_arithmetic3A_170, %shift_left3A_171 : i32
        %multiple_of3A_173 = tpu.assume_multiple %shift_left3A_172, 8 : i32
        %dma_start3A_174 = tpu.memref_slice %arg2[%multiple_of3A_173] : memref<901176xi32, #tpu.memory_space<hbm>> -> memref<1176xi32, #tpu.memory_space<hbm>>
        %dma_start3A_175 = tpu.memref_slice %arg2[%multiple_of3A_173] : memref<901176xi32, #tpu.memory_space<hbm>> -> memref<1176xi32, #tpu.memory_space<hbm>>
        tpu.enqueue_dma source(%dma_start3A_175 : memref<1176xi32, #tpu.memory_space<hbm>>) target(%arg9 : memref<1176xi32, #tpu.memory_space<vmem>>) target_semaphore(%arg11 : memref<!tpu.dma_semaphore, #tpu.memory_space<semaphore_mem>>)
      } else {
      }
    }
    %scan3A_68 = arith.constant 13 : i32
    %dma_wait3A = arith.constant 0 : i32
    %dma_wait3A_69 = tpu.memref_slice %arg4[%dma_wait3A] : memref<12800000xf32, #tpu.memory_space<hbm>> -> memref<16384xf32, #tpu.memory_space<hbm>>
    %dma_wait3A_70 = arith.constant 0 : i32
    %dma_wait3A_71 = tpu.memref_slice %arg4[%dma_wait3A_70] : memref<12800000xf32, #tpu.memory_space<hbm>> -> memref<16384xf32, #tpu.memory_space<hbm>>
    tpu.wait_dma2 semaphore(%arg12 : memref<!tpu.dma_semaphore, #tpu.memory_space<semaphore_mem>>) src(%arg6 : memref<16384xf32, #tpu.memory_space<vmem>>) dst(%dma_wait3A_71 : memref<16384xf32, #tpu.memory_space<hbm>>)
    %dma_wait3A_72 = arith.constant 0 : i32
    %dma_wait3A_73 = tpu.memref_slice %arg4[%dma_wait3A_72] : memref<12800000xf32, #tpu.memory_space<hbm>> -> memref<16384xf32, #tpu.memory_space<hbm>>
    %dma_wait3A_74 = arith.constant 0 : i32
    %dma_wait3A_75 = tpu.memref_slice %arg4[%dma_wait3A_74] : memref<12800000xf32, #tpu.memory_space<hbm>> -> memref<16384xf32, #tpu.memory_space<hbm>>
    tpu.wait_dma2 semaphore(%arg13 : memref<!tpu.dma_semaphore, #tpu.memory_space<semaphore_mem>>) src(%arg7 : memref<16384xf32, #tpu.memory_space<vmem>>) dst(%dma_wait3A_75 : memref<16384xf32, #tpu.memory_space<hbm>>)
    return
  }
}

</mosaic_0001>

<sc_bundles>
// kernel: kernel.3.cloned.1.call-start
scs
__scs_entry_jumppad:
0x0: {  	(pc) =	sbr.rel $0x88, $3  }
0x1: {  	(tag) =	ssettag $0x0;
	lr =	simm.s32 $0x1  }
0x2: {  	[smem:$0x3F9F] =	sst lr;
	_ =	strace $0xD0000000  }
0x3: {  	_ = 	snop  }
0x4: {  	_ = 	snop  }
0x5: {  	_ = 	snop  }
0x6: {  	_ = 	snop  }
0x7: {  	_ = 	snop  }
__scs_overlays_trampoline_lowered:
0x8: {  	[smem:$0x3FAE] =	sst s0  }
0x9: {  	[smem:$0x3FAF] =	sst s1  }
0xa: {  	[smem:$0x3FB0] =	sst s2  }
0xb: {  	[smem:$0x3FB1] =	sst s3  }
0xc: {  	[smem:$0x3FB2] =	sst s4  }
0xd: {  	[smem:$0x3FB3] =	sst s5  }
0xe: {  	[smem:$0x3FB4] =	sst s6  }
0xf: {  	[smem:$0x3FB5] =	sst s7  }
0x10: {  	[smem:$0x3FB6] =	sst s8  }
0x11: {  	[smem:$0x3FB7] =	sst s9;
	s0 =	simm.s32 @!p0 $0x0  }
0x12: {  	s1 =	sld [smem:$0x3F9D];
	s0 =	simm.s32 @p0 $0x1  }
0x13: {  	[smem:$0x3FB8] =	sst s0;
	s0 =	simm.s32 @!p1 $0x0  }
0x14: {  	s2 =	sld [smem:$0x3F9C];
	s0 =	simm.s32 @p1 $0x1  }
0x15: {  	[smem:$0x3FB9] =	sst s0;
	s0 =	simm.s32 @!p2 $0x0  }
0x16: {  	s3 =	sld [smem:$0x3FDB];
	s0 =	simm.s32 @p2 $0x1  }
0x17: {  	s4 =	simm.s32 $0x1BF5;
	[smem:$0x3FBB] =	sst s0  }
0x18: {  	s0 =	sld [smem:$0x3F9E];
	_ =	swait.ge [sflag:s4], $0x0  }
0x19: {  	s7 =	sld [smem:$0x3F9F]  }
0x1a: {  	s8 =	sadd.s32 $0xFFFFE003, lr  }
0x1b: {  	s9 =	sadd.s32 $0xFFFFFEF7, lr;
	s5 =	simm.s32 $0xFFFFFFFF;
	p2 =	slt.u32 s8, $0xFFFFF086  }
0x1c: {  	p1 =	slt.u32 s9, $0xF7A;
	s5 =	simm.s32 @!p2 $0x0  }
0x1d: {  	s5 =	simm.s32 @p1 $0x1;
	p0 =	seq.s32 s7, s2  }
0x1e: {  	s7 =	smul.u32 @!p0 $0xF7A, s2;
	p2 =	seq.s32 @!p0 s5, $0x0  }
0x1f: {  	s9 =	smul.u32 $0xF7A, s1;
	s8 =	simm.s32 @!p0 $0x1BF5;
	p2 =	por !p2, p0  }
0x20: {  	[sflag:s8] =	ssyncset.s32 @!p0 $0xFFFFF086;
	s6 =	sadd.s32 @!p0 s3, s7;
	s7 =	simm.s32 @!p0 $0x108  }
0x21: {  	s3 =	sadd.s32 s3, s9;
	s6 =	sadd.s32 @!p0 $0x88, s6;
	s7 =	simm.s32 @p2 $0x1082  }
0x22: {  	[simem:s7], [sflag:s8] =	dma.local @!p0 [hbm:s6], $0xF7A  }
0x23: {  	s9 =	sor.u32 $0xD0000000, s2;
	s6 =	simm.s32 $0x108;
	_ =	swait.ge @!p0 [sflag:s8], $0x0  }
0x24: {  	s3 =	sadd.s32 $0x88, s3;
	s6 =	simm.s32 @!p1 $0x1082;
	[sflag:s4] =	ssyncset.s32 $0xFFFFF086  }
0x25: {  	[simem:s6], [sflag:s4] =	dma.local [hbm:s3], $0xF7A  }
0x26: {  	[smem:$0x3F9F] =	sst s1;
	(tag) =	ssettag s2;
	_ =	strace s9  }
0x27: {  	s1 =	sld [smem:$0x3FAF]  }
0x28: {  	s2 =	sld [smem:$0x3FB0]  }
0x29: {  	s4 =	sld [smem:$0x3FB2]  }
0x2a: {  	p0 =	seq.s32 s5, $0x0;
	s5 =	sld [smem:$0x3FB3]  }
0x2b: {  	s6 =	sld [smem:$0x3FB4]  }
0x2c: {  	s7 =	sld [smem:$0x3FB5]  }
0x2d: {  	s3 =	simm.s32 $0x108;
	s8 =	sld [smem:$0x3FB6]  }
0x2e: {  	s3 =	simm.s32 @!p0 $0x1082;
	s9 =	sld [smem:$0x3FB7]  }
0x2f: {  	lr =	sadd.s32 s0, s3;
	s0 =	sld [smem:$0x3FAE]  }
0x30: {  	s3 =	sld [smem:$0x3FB1]  }
0x31: {  	[smem:$0x3FBA] =	sst s10  }
0x32: {  	s10 =	sld [smem:$0x3FB8];
	_ =	sdelay $0x3  }
0x33: {  	p0 =	seq.s32 s10, $0x1;
	s10 =	sld [smem:$0x3FBA];
	_ =	sdelay $0x3  }
0x34: {  	[smem:$0x3FBA] =	sst s10  }
0x35: {  	s10 =	sld [smem:$0x3FB9];
	_ =	sdelay $0x3  }
0x36: {  	p1 =	seq.s32 s10, $0x1;
	s10 =	sld [smem:$0x3FBA];
	_ =	sdelay $0x3  }
0x37: {  	[smem:$0x3FBA] =	sst s10  }
0x38: {  	s10 =	sld [smem:$0x3FBB]  }
0x39: {  	_ = 	snop;
	(pc) =	sbr.ind lr, $3  }
0x3a: {  	_ = 	snop  }
0x3b: {  	_ = 	snop  }
0x3c: {  	p2 =	seq.s32 s10, $0x1;
	s10 =	sld [smem:$0x3FBA]  }
0x3d: {  	_ =	shalt  }
0x3e: {  	_ =	shalt  }
0x3f: {  	_ =	shalt  }
0x40: {  	_ =	shalt  }
0x41: {  	_ =	shalt  }
0x42: {  	_ =	shalt  }
0x43: {  	_ =	shalt  }
0x44: {  	_ =	shalt  }
0x45: {  	_ =	shalt  }
0x46: {  	_ =	shalt  }
0x47: {  	_ =	shalt  }
0x48: {  	_ =	shalt  }
0x49: {  	_ =	shalt  }
0x4a: {  	_ =	shalt  }
0x4b: {  	_ =	shalt  }
0x4c: {  	_ =	shalt  }
0x4d: {  	_ =	shalt  }
0x4e: {  	_ =	shalt  }
0x4f: {  	_ =	shalt  }
0x50: {  	_ =	shalt  }
0x51: {  	_ =	shalt  }
0x52: {  	_ =	shalt  }
0x53: {  	_ =	shalt  }
0x54: {  	_ =	shalt  }
0x55: {  	_ =	shalt  }
0x56: {  	_ =	shalt  }
0x57: {  	_ =	shalt  }
0x58: {  	_ =	shalt  }
0x59: {  	_ =	shalt  }
0x5a: {  	_ =	shalt  }
0x5b: {  	_ =	shalt  }
0x5c: {  	_ =	shalt  }
0x5d: {  	_ =	shalt  }
0x5e: {  	_ =	shalt  }
0x5f: {  	_ =	shalt  }
0x60: {  	_ =	shalt  }
0x61: {  	_ =	shalt  }
0x62: {  	_ =	shalt  }
0x63: {  	_ =	shalt  }
0x64: {  	_ =	shalt  }
0x65: {  	_ =	shalt  }
0x66: {  	_ =	shalt  }
0x67: {  	_ =	shalt  }
0x68: {  	_ =	shalt  }
0x69: {  	_ =	shalt  }
0x6a: {  	_ =	shalt  }
0x6b: {  	_ =	shalt  }
0x6c: {  	_ =	shalt  }
0x6d: {  	_ =	shalt  }
0x6e: {  	_ =	shalt  }
0x6f: {  	_ =	shalt  }
0x70: {  	_ =	shalt  }
0x71: {  	_ =	shalt  }
0x72: {  	_ =	shalt  }
0x73: {  	_ =	shalt  }
0x74: {  	_ =	shalt  }
0x75: {  	_ =	shalt  }
0x76: {  	_ =	shalt  }
0x77: {  	_ =	shalt  }
0x78: {  	_ =	shalt  }
0x79: {  	_ =	shalt  }
0x7a: {  	_ =	shalt  }
0x7b: {  	_ =	shalt  }
0x7c: {  	_ =	shalt  }
0x7d: {  	_ =	shalt  }
0x7e: {  	_ =	shalt  }
0x7f: {  	_ =	shalt  }
0x80: {  	_ =	shalt  }
0x81: {  	_ =	shalt  }
0x82: {  	_ =	shalt  }
0x83: {  	_ =	shalt  }
0x84: {  	_ =	shalt  }
0x85: {  	_ =	shalt  }
0x86: {  	_ =	shalt  }
0x87: {  	_ =	shalt  }
.Lfunc_end0:
.L_simem_size_0:
called_computation_lowered:
.L_overlay_start_0:
0x88: {  	s2 =	sld [smem:$0x3FD9]  }
0x89: {  	s3 =	sld [smem:$0x3FFE];
	_ =	sdelay $0x1  }
0x8a: {  	s1 =	srdreg.scid  }
0x8b: {  	s0 =	sand.u32 $0x1, s1  }
0x8c: {  	s17 =	sshll.u32 s0, $0xA;
	s2 =	sadd.s32 s3, s2  }
0x8d: {  	s2 =	sadd.s32 s2, s17  }
0x8e: {  	[smem:$0x3FC6] =	sst s2  }
0x8f: {  	_ = 	snop  }
0x90: {  	s2 =	sld [smem:$0x3FD0];
	(tm) =	ssettm $0x1  }
0x91: {  	s18 =	sld [smem:$0x3FFB];
	_ =	sdelay $0x3  }
0x92: {  	_ =	strace s18  }
0x93: {  	s3 =	sld [smem:$0x3FFC];
	_ =	sdelay $0x3  }
0x94: {  	_ =	strace s3  }
0x95: {  	s3 =	sld [smem:$0x3FFD];
	_ =	sdelay $0x3  }
0x96: {  	_ =	strace s3  }
0x97: {  	_ =	strace $0x8FFFFFFF  }
0x98: {  	s19 =	sld [smem:$0x3FDB];
	_ =	sdelay $0x1  }
0x99: {  	s4 =	simm.s32 $_scs_section_size  }
0x9a: {  	s5 =	simm.s32 $_size__tile_overlayer_lowered;
	s6 =	simm.s32 $_tile_overlayer_lowered  }
0x9b: {  	s22 =	simm.s32 $0x1BFF;
	s21 =	sshll.u32 s6, $0x1;
	s3 =	sadd.s32 s4, s19  }
0x9c: {  	s7 =	simm.s32 $0x0;
	s20 =	sshll.u32 s5, $0x1;
	s5 =	sadd.s32 s21, s3  }
0x9d: {  	[timem:s7], [sflag:s22] =	dma.local [hbm:s5], s20  }
0x9e: {  	_ =	swait.ge [sflag:s22], s20  }
0x9f: {  	s4 =	ssub.s32 $0x0, s20;
	[sflag:s22] =	ssyncset.done $0x0  }
0xa0: {  	[sflag:s22] =	ssyncadd.s32 s4;
	_ =	sdelay $0x1  }
0xa1: {  	s23 =	simm.s32 $0x1B8B  }
0xa2: {  	_ =	swait.ge [sflag:s23], $0x1  }
0xa3: {  	[sflag:s23] =	ssyncset.done $0x0  }
0xa4: {  	s25 =	simm.s32 $0x1B8E;
	s24 =	sld [smem:$0x3FFE];
	[sflag:s23] =	ssyncadd.s32 $0xFFFFFFFF  }
0xa5: {  	s26 =	simm.s32 $execute0_lowered;
	[smem:$0x3FD2] =	sst s25  }
0xa6: {  	s5 =	sshll.u32 s26, $0x1;
	_ =	strace $0x80000046;
	[dreg:$0x1] =	wrdreg $0xFFFFFFFF  }
0xa7: {  	s28 =	simm.s32 $_size_execute0_lowered;
	s3 =	sadd.s32 s3, s5;
	[dreg:$0x0] =	wrdreg $0x0  }
0xa8: {  	s5 =	sshll.u32 s28, $0x1;
	[dreg:$0x2] =	wrdreg s3  }
0xa9: {  	[dreg:$0x3] =	wrdreg s5  }
0xaa: {  	[dreg:$0x4] =	wrdreg $0xC0  }
0xab: {  	_ =	task [dreg:s7], $0x5FFFF  }
0xac: {  	[dreg:$0x1] =	wrdreg $0xFFFFFFFF  }
0xad: {  	[dreg:$0x0] =	wrdreg $0x60  }
0xae: {  	[dreg:$0x2] =	wrdreg s24  }
0xaf: {  	[dreg:$0x3] =	wrdreg s2  }
0xb0: {  	[dreg:$0x4] =	wrdreg $0x9  }
0xb1: {  	_ =	task.clear_ibuf [dreg:s7], $0x5FFFF;
	_ =	strace $0x90000046  }
0xb2: {  	s29 =	simm.s32 $0x9;
	_ =	strace $0x80000048  }
0xb3: {  	_ =	swait.ge [sflag:s29], $0x1  }
0xb4: {  	[sflag:s29] =	ssyncadd.s32 $0xFFFFFFFF  }
0xb5: {  	_ =	strace $0x90000048  }
0xb6: {  	_ =	sfence  }
0xb7: {  	s30 =	sld [smem:$0x0];
	_ =	sdelay $0x2  }
0xb8: {  	s31 =	sshll.u32 s1, $0xD;
	s1 =	sshrl.u32 s1, $0x2  }
0xb9: {  	s3 =	sand.u32 $0x4000, s31;
	s1 =	sadd.s32 s1, s30  }
0xba: {  	s0 =	sor.u32 s3, s0;
	s1 =	sshll.u32 s1, $0x11  }
0xbb: {  	s0 =	sor.u32 s1, s0  }
0xbc: {  	s0 =	sadd.s32 $0x8F2B, s0  }
0xbd: {  	[sflag:s0] =	ssyncadd.remote.s32 $0x1  }
0xbe: {  	_ =	sfence.sel $0xFFFF  }
0xbf: {  	[dreg:$0x0] =	wrdreg $0xFFFFFFFF;
	(pc) =	sbr.abs _section_cstart, $3  }
0xc0: {  	[dreg:$0x1] =	wrdreg $0xFFFFFFFF  }
0xc1: {  	_ =	task.clear_ibuf [dreg:s7], $0x2FFFF;
	_ =	strace $0x9FFFFFFF  }
0xc2: {  	(tm) =	ssettm $0x7FFFFFFF  }
0xc3: {  	_ =	shalt  }
tec
execute0_lowered:
.L_overlay_start_1:
0x0: {  	(tag) =	ssettag $0x1  }
0x1: {  	s0 =	rddreg [dreg:$0x0]  }
0x2: {  	s2 =	rddreg [dreg:$0x1]  }
0x3: {  	s1 =	srdreg.scid;
	s4 =	stileid.u32;
	s3 =	simm.s32 $0x0  }
0x4: {  	vm0 =	vcmask $0x704;
	v1 =	vimm.s32 $0x0;
	s13 =	simm.s32 $0x5;
	s15 =	simm.s32 $0x16600;
	s16 =	simm.s32 $0x1  }
0x5: {  	vm9 =	vcmask $0xB08;
	vm10 =	vcmask $0xF0C;
	s17 =	simm.s32 $0xE100;
	s18 =	simm.s32 $0x2;
	s19 =	simm.s32 $0x12100;
	v0 =	vsel vm0, $0x1900, v1  }
0x6: {  	vm11 =	vcmask $0x1310;
	vm12 =	vcmask $0x1714;
	s20 =	simm.s32 $0x3;
	s1 =	sand.u32 $0x1, s1;
	s12 =	sshll.u32 s4, $0x1;
	v0 =	vsel vm9, $0x3200, v0  }
0x7: {  	vm13 =	vcmask $0x1B18;
	vm14 =	vcmask $0x1F1C;
	s6 =	sor.u32 s1, s12;
	s31 =	ssub.s32 $0x2, s1;
	s1 =	smul.u32 $0x3, s1;
	v0 =	vsel vm10, $0x4B00, v0  }
0x8: {  	v7 =	vimm.s32 $0x6;
	vm15 =	vcmask $0x2320;
	s21 =	simm.s32 $0x4;
	s22 =	simm.s32 $0x0;
	s7 =	smul.u32 $0x6DDD, s6;
	v0 =	vsel vm11, $0x6400, v0  }
.Ltmp0:
0x9: {  	v2 =	vimm.s32 $0x1;
	v3 =	vimm.s32 $0x2;
	[smem:$0x7FF] =	sst s3;
	s4 =	sadd.s32 $0x2000, s0;
	v0 =	vsel vm12, $0x7D00, v0;
	(pc) =	sbr.rel .LBB2_1-.Ltmp0, $4  }
0xa: {  	v4 =	vimm.s32 $0x3;
	v5 =	vimm.s32 $0x4;
	s5 =	sadd.s32 $0x200, s0;
	s8 =	sshrl.u32 s31, $0x1;
	s6 =	smul.u32 $0xC35, s6;
	v0 =	vsel vm13, $0x9600, v0  }
0xb: {  	v6 =	vimm.s32 $0x5;
	v8 =	vimm.s32 $0x7;
	_ =	strace $0x80000047;
	s0 =	ssub.s32 s31, s8;
	s7 =	sshrl.u32 s7, $0x3;
	v0 =	vsel vm14, $0xAF00, v0  }
0xc: {  	v10 =	vimm.s32 $0x8;
	v9 =	vlaneseq.u32;
	s12 =	ssub.s32 s12, s1;
	s9 =	sadd.s32 $0x100, s6;
	s7 =	sadd.s32 s4, s7;
	v27 =	vsel vm15, $0xC800, v0  }
0xd: {  	v62 =	vor.u32 $0x10, v9;
	v12 =	vor.u32 $0x20, v9;
	v13 =	vor.u32 $0x30, v9;
	s10 =	sadd.s32 $0x180, s6;
	s11 =	smax.u32 s0, $0x1;
	s8 =	sadd.s32 $0x90, s7;
	[tilespmem:$0x1FFF0] =	vst v27  }
.LBB2_8:
0xe: {  	s22 =	sadd.s32 $0x1, s22  }
0xf: {  	_ =	swait.ge [sflag:s20], $0x4000;
	p0 =	sne.s32 s22, s11  }
.Ltmp1:
0x10: {  	[sflag:s20] =	ssyncset.done $0x0;
	(pc) =	sbr.rel @!p0 .LBB2_9-.Ltmp1, $4  }
0x11: {  	v1 =	vimm.s32 $0x0;
	[sflag:s20] =	ssyncadd.s32 $0xFFFFC000  }
0x12: {  	v7 =	vimm.s32 $0x6;
	v2 =	vimm.s32 $0x1;
	v3 =	vimm.s32 $0x2;
	_ =	swait.ge [sflag:s21], $0x4000  }
0x13: {  	v4 =	vimm.s32 $0x3;
	v5 =	vimm.s32 $0x4;
	v6 =	vimm.s32 $0x5;
	[sflag:s21] =	ssyncset.done $0x0  }
0x14: {  	v8 =	vimm.s32 $0x7;
	v10 =	vimm.s32 $0x8;
	v9 =	vlaneseq.u32;
	[sflag:s21] =	ssyncadd.s32 $0xFFFFC000  }
.LBB2_1:
0x15: {  	[tilespmem:s3], [sflag:$0x5] =	stream.linear.gather [hbm4b:s5+s3], $0xE100, $0x38;
	[tilespmem:$0x16B00] =	vst v63  }
0x16: {  	_ =	swait.ge [sflag:s13], $0xE100  }
0x17: {  	[sflag:s13] =	ssyncset.done $0x0  }
0x18: {  	s0 =	simm.s32 $0x16100;
	[sflag:s13] =	ssyncadd.s32 $0xFFFF1F00  }
0x19: {  	[tilespmem:s0], [sflag:$0x1] =	stream.linear.gather [hbm4b:s7+s3], $0x498, $0x38;
	[tilespmem:$0x16B00] =	vst v63  }
0x1a: {  	s23 =	simm.s32 $0x80;
	s24 =	simm.s32 $0x0;
	s25 =	simm.s32 $0x0  }
0x1b: {  	[tilespmem:s15], [sflag:$0x2] =	stream.linear.gather [hbm4b:s8+s3], $0x498, $0x38;
	[tilespmem:$0x16B00] =	vst v63  }
.LBB2_2:
0x1c: {  	_ =	swait.ge [sflag:s16], $0x498  }
0x1d: {  	p0 =	seq.s32 s25, $0x0;
	[sflag:s16] =	ssyncset.done $0x0  }
0x1e: {  	s0 =	smin.u32 s24, $0xBB5;
	s1 =	simm.s32 @!p0 $0x3;
	[sflag:s16] =	ssyncadd.s32 $0xFFFFFB68  }
0x1f: {  	s0 =	sadd.s32 s0, s12;
	_ =	swait.ge @!p0 [sflag:s1], $0x4000  }
0x20: {  	s0 =	sand.u32 $0x7, s0;
	[sflag:s1] =	ssyncset.done @!p0 $0x0  }
0x21: {  	s0 =	sadd.s32 $0x16109, s0;
	[sflag:s1] =	ssyncadd.s32 @!p0 $0xFFFFC000  }
0x22: {  	v0 =	vld [tilespmem:s0+$0x0];
	_ =	sdelay $0x4  }
0x23: {  	v0 =	vshll.u32 v0, $0x6  }
0x24: {  	v0 =	vadd.s32 v27, v0  }
0x25: {  	v28 =	vperm.xlane v0, v1  }
0x26: {  	v11 =	vmov v27;
	v1 =	vld [tilespmem:s0+$0xFFFFFFF7];
	v27 =	vperm.xlane v0, v2  }
0x27: {  	v26 =	vperm.xlane v0, v3;
	v2 =	vadd.s32 v9, v28  }
0x28: {  	v17 =	vimm.s32 $0x0;
	v25 =	vperm.xlane v0, v4;
	v3 =	vadd.s32 v9, v27  }
0x29: {  	v15 =	vimm.s32 $0x1;
	v41 =	vperm.xlane v0, v5;
	v4 =	vadd.s32 v9, v26  }
0x2a: {  	v30 =	vperm.xlane v0, v6;
	v40 =	vperm.xlane v0, v7;
	v5 =	vadd.s32 v9, v25  }
0x2b: {  	v19 =	vperm.xlane v0, v8;
	v6 =	vadd.s32 v9, v41;
	v1 =	vshll.u32 v1, $0x6  }
0x2c: {  	v23 =	vperm.xlane v0, v10;
	v7 =	vadd.s32 v9, v30;
	v1 =	vadd.s32 v11, v1;
	v2 =	vld.idx.msk [tilespmem:v2+s3+$0x0], $0xffff  }
0x2d: {  	v8 =	vadd.s32 v9, v40;
	v3 =	vld.idx.msk [tilespmem:v3+s3+$0x0], $0xffff;
	v18 =	vperm.xlane v1, v15;
	v15 =	vlaneseq.u32  }
0x2e: {  	v16 =	vimm.s32 $0x2;
	v17 =	vperm.xlane v1, v17;
	v4 =	vld.idx.msk [tilespmem:v4+s3+$0x0], $0xffff;
	v9 =	vadd.s32 v15, v19  }
0x2f: {  	v14 =	vimm.s32 $0x3;
	v20 =	vimm.s32 $0x4;
	v5 =	vld.idx.msk [tilespmem:v5+s3+$0x0], $0xffff;
	v31 =	vadd.s32 v15, v23  }
0x30: {  	v21 =	vimm.s32 $0x5;
	v16 =	vperm.xlane v1, v16;
	v6 =	vld.idx.msk [tilespmem:v6+s3+$0x0], $0xffff;
	v22 =	vadd.s32 v15, v17  }
0x31: {  	v32 =	vimm.s32 $0x6;
	v14 =	vperm.xlane v1, v14;
	v7 =	vld.idx.msk [tilespmem:v7+s3+$0x0], $0xffff;
	v24 =	vadd.s32 v15, v18  }
0x32: {  	v34 =	vimm.s32 $0x7;
	v20 =	vperm.xlane v1, v20;
	v8 =	vld.idx.msk [tilespmem:v8+s3+$0x0], $0xffff;
	v29 =	vadd.s32 v15, v16  }
0x33: {  	v38 =	vperm.xlane v1, v21;
	v21 =	vperm.xlane v1, v32;
	v0 =	vadd.s32 v15, v14;
	v9 =	vld.idx.msk [tilespmem:v9+s3+$0x0], $0xffff  }
0x34: {  	v61 =	vadd.s32 v15, v20;
	v2 =	vadd.bf16 v3, v2;
	v3 =	vadd.bf16 v5, v4;
	v4 =	vld.idx.msk [tilespmem:v31+s3+$0x0], $0xffff  }
0x35: {  	v36 =	vadd.s32 v15, v21;
	v33 =	vld.idx.msk [tilespmem:v22+s3+$0x0], $0xffff;
	v22 =	vperm.xlane v1, v34  }
0x36: {  	v63 =	vadd.s32 v15, v38;
	v35 =	vld.idx.msk [tilespmem:v24+s3+$0x0], $0xffff  }
0x37: {  	v29 =	vld.idx.msk [tilespmem:v29+s3+$0x0], $0xffff;
	v37 =	vadd.s32 v15, v22  }
0x38: {  	v5 =	vadd.bf16 v7, v6;
	v0 =	vld.idx.msk [tilespmem:v0+s3+$0x0], $0xffff;
	v6 =	vadd.bf16 v9, v8  }
0x39: {  	v7 =	vld.idx.msk [tilespmem:v61+s3+$0x0], $0xffff  }
0x3a: {  	v2 =	vadd.bf16 v3, v2;
	v24 =	vperm.xlane v1, v10;
	v1 =	vld.idx.msk [tilespmem:v36+s3+$0x0], $0xffff;
	v3 =	vadd.bf16 v6, v5  }
0x3b: {  	v8 =	vld.idx.msk [tilespmem:v63+s3+$0x0], $0xffff  }
0x3c: {  	v5 =	vld.idx.msk [tilespmem:v37+s3+$0x0], $0xffff;
	v2 =	vadd.bf16 v3, v2  }
0x3d: {  	v3 =	vadd.s32 v15, v24  }
0x3e: {  	v9 =	vadd.s32 v62, v27;
	v2 =	vadd.bf16 v4, v2  }
0x3f: {  	v0 =	vadd.bf16 v0, v29;
	v29 =	vadd.s32 v62, v26;
	v6 =	vadd.bf16 v35, v33  }
0x40: {  	s28 =	simm.s32 $0xE180;
	v7 =	vadd.bf16 v8, v7;
	v4 =	vadd.s32 v62, v28;
	v8 =	vunpack.i.l.bf16.f32 v2  }
0x41: {  	v2 =	vunpack.i.u.bf16.f32 v2;
	v1 =	vadd.bf16 v5, v1;
	v5 =	vadd.s32 v62, v30;
	[tilespmem:s28+$0x0] =	vst v8  }
0x42: {  	v8 =	vadd.s32 v62, v25;
	v3 =	vld.idx.msk [tilespmem:v3+s3+$0x0], $0xffff;
	[tilespmem:s28+$0x10] =	vst v2  }
0x43: {  	v0 =	vadd.bf16 v0, v6;
	v2 =	vadd.s32 v62, v41;
	v1 =	vadd.bf16 v1, v7;
	v6 =	vld.idx.msk [tilespmem:v9+s3+$0x0], $0xffff  }
0x44: {  	v7 =	vadd.s32 v62, v40;
	v9 =	vld.idx.msk [tilespmem:v29+s3+$0x0], $0xffff  }
0x45: {  	v29 =	vadd.s32 v62, v19;
	v4 =	vld.idx.msk [tilespmem:v4+s3+$0x0], $0xffff;
	v0 =	vadd.bf16 v1, v0  }
0x46: {  	v5 =	vld.idx.msk [tilespmem:v5+s3+$0x0], $0xffff  }
0x47: {  	v1 =	vld.idx.msk [tilespmem:v8+s3+$0x0], $0xffff;
	v8 =	vadd.s32 v62, v17;
	v0 =	vadd.bf16 v3, v0  }
0x48: {  	v2 =	vld.idx.msk [tilespmem:v2+s3+$0x0], $0xffff;
	v3 =	vadd.s32 v62, v18  }
0x49: {  	v31 =	vadd.s32 v62, v16;
	v7 =	vld.idx.msk [tilespmem:v7+s3+$0x0], $0xffff;
	v42 =	vunpack.i.l.bf16.f32 v0  }
0x4a: {  	v43 =	vadd.s32 v62, v23;
	v29 =	vld.idx.msk [tilespmem:v29+s3+$0x0], $0xffff;
	v0 =	vunpack.i.u.bf16.f32 v0;
	[tilespmem:s28+$0xFFFFFF80] =	vst v42  }
0x4b: {  	v44 =	vadd.s32 v62, v14;
	[tilespmem:s28+$0xFFFFFF90] =	vst v0  }
0x4c: {  	v0 =	vadd.s32 v62, v20;
	v8 =	vld.idx.msk [tilespmem:v8+s3+$0x0], $0xffff;
	[tilespmem:$0x1FF60] =	vst v38  }
0x4d: {  	v45 =	vadd.s32 v62, v38;
	v46 =	vadd.s32 v62, v21;
	v3 =	vld.idx.msk [tilespmem:v3+s3+$0x0], $0xffff;
	[tilespmem:$0x1FF70] =	vst v21  }
0x4e: {  	v4 =	vadd.bf16 v6, v4;
	v1 =	vadd.bf16 v1, v9;
	v31 =	vld.idx.msk [tilespmem:v31+s3+$0x0], $0xffff;
	[tilespmem:$0x1FF80] =	vst v22  }
0x4f: {  	v6 =	vadd.s32 v62, v22;
	v2 =	vadd.bf16 v5, v2;
	v5 =	vadd.bf16 v29, v7;
	v9 =	vld.idx.msk [tilespmem:v43+s3+$0x0], $0xffff  }
0x50: {  	v7 =	vld.idx.msk [tilespmem:v44+s3+$0x0], $0xffff  }
0x51: {  	v1 =	vadd.bf16 v1, v4;
	v0 =	vld.idx.msk [tilespmem:v0+s3+$0x0], $0xffff;
	v2 =	vadd.bf16 v5, v2  }
0x52: {  	v4 =	vld.idx.msk [tilespmem:v45+s3+$0x0], $0xffff;
	[tilespmem:$0x1FF90] =	vst v24  }
0x53: {  	v5 =	vadd.s32 v62, v24;
	v29 =	vld.idx.msk [tilespmem:v46+s3+$0x0], $0xffff;
	v1 =	vadd.bf16 v2, v1  }
0x54: {  	v2 =	vld.idx.msk [tilespmem:v6+s3+$0x0], $0xffff  }
0x55: {  	v6 =	vadd.s32 v12, v28;
	v1 =	vadd.bf16 v9, v1  }
0x56: {  	v47 =	vadd.s32 v12, v26  }
0x57: {  	v3 =	vadd.bf16 v3, v8;
	v9 =	vadd.s32 v12, v27;
	v8 =	vunpack.i.l.bf16.f32 v1  }
0x58: {  	s0 =	sadd.s32 $0x12, s0;
	v5 =	vld.idx.msk [tilespmem:v5+s3+$0x0], $0xffff;
	v7 =	vadd.bf16 v7, v31;
	v31 =	vadd.s32 v12, v19;
	v1 =	vunpack.i.u.bf16.f32 v1;
	[tilespmem:s28+$0x20] =	vst v8  }
0x59: {  	v0 =	vadd.bf16 v4, v0;
	v4 =	vld [tilespmem:s0+$0x0];
	v2 =	vadd.bf16 v2, v29;
	v29 =	vadd.s32 v12, v30;
	[tilespmem:s28+$0x30] =	vst v1  }
0x5a: {  	v1 =	vadd.s32 v12, v41;
	v6 =	vld.idx.msk [tilespmem:v6+s3+$0x0], $0xffff  }
0x5b: {  	v3 =	vadd.bf16 v7, v3;
	v8 =	vadd.s32 v12, v25;
	v0 =	vadd.bf16 v2, v0;
	v2 =	vld.idx.msk [tilespmem:v47+s3+$0x0], $0xffff  }
0x5c: {  	v7 =	vld.idx.msk [tilespmem:v9+s3+$0x0], $0xffff;
	v9 =	vadd.s32 v12, v40  }
0x5d: {  	v31 =	vld.idx.msk [tilespmem:v31+s3+$0x0], $0xffff;
	v0 =	vadd.bf16 v0, v3  }
0x5e: {  	v29 =	vld.idx.msk [tilespmem:v29+s3+$0x0], $0xffff  }
0x5f: {  	v58 =	vimm.s32 $0x3;
	v3 =	vld.idx.msk [tilespmem:v1+s3+$0x0], $0xffff;
	v1 =	vadd.s32 v12, v17;
	v0 =	vadd.bf16 v5, v0  }
0x60: {  	v55 =	vimm.s32 $0x0;
	v4 =	vshll.u32 v4, $0x6;
	v8 =	vld.idx.msk [tilespmem:v8+s3+$0x0], $0xffff;
	v5 =	vadd.s32 v12, v18  }
0x61: {  	v51 =	vadd.s32 v12, v14;
	v47 =	vadd.s32 v11, v4;
	v9 =	vld.idx.msk [tilespmem:v9+s3+$0x0], $0xffff;
	v48 =	vunpack.i.l.bf16.f32 v0  }
0x62: {  	v49 =	vadd.s32 v12, v23;
	v34 =	vperm.xlane v47, v58;
	v0 =	vunpack.i.u.bf16.f32 v0;
	[tilespmem:s28+$0xFFFFFFA0] =	vst v48  }
0x63: {  	v54 =	vimm.s32 $0x2;
	v50 =	vadd.s32 v12, v16;
	v42 =	vadd.s32 v12, v20;
	v45 =	vld [tilespmem:s0+$0xFFFFFFF7];
	[tilespmem:s28+$0xFFFFFFB0] =	vst v0  }
0x64: {  	v43 =	vadd.s32 v12, v38;
	v46 =	vimm.s32 $0x1;
	v56 =	vadd.s32 v15, v34;
	v0 =	vld.idx.msk [tilespmem:v1+s3+$0x0], $0xffff  }
0x65: {  	v37 =	vperm.xlane v47, v46;
	v1 =	vld.idx.msk [tilespmem:v5+s3+$0x0], $0xffff;
	v5 =	vadd.bf16 v7, v6;
	v2 =	vadd.bf16 v8, v2  }
0x66: {  	v48 =	vimm.s32 $0x4;
	v4 =	vld.idx.msk [tilespmem:v51+s3+$0x0], $0xffff;
	v6 =	vadd.bf16 v29, v3;
	v8 =	vadd.bf16 v31, v9  }
0x67: {  	v44 =	vadd.s32 v12, v21;
	v39 =	vperm.xlane v47, v48;
	v7 =	vld.idx.msk [tilespmem:v49+s3+$0x0], $0xffff;
	v29 =	vadd.s32 v15, v37  }
0x68: {  	v32 =	vperm.xlane v47, v55;
	v3 =	vld.idx.msk [tilespmem:v50+s3+$0x0], $0xffff;
	v2 =	vadd.bf16 v2, v5;
	v8 =	vadd.bf16 v8, v6  }
0x69: {  	v38 =	vperm.xlane v47, v54;
	v57 =	vadd.s32 v15, v39;
	v51 =	vld.idx.msk [tilespmem:v56+s3+$0x0], $0xffff  }
0x6a: {  	v60 =	vimm.s32 $0x5;
	v9 =	vadd.s32 v15, v32;
	v5 =	vld.idx.msk [tilespmem:v42+s3+$0x0], $0xffff;
	v8 =	vadd.bf16 v8, v2  }
0x6b: {  	v61 =	vimm.s32 $0x6;
	v21 =	vimm.s32 $0x7;
	v31 =	vadd.s32 v15, v38;
	v6 =	vld.idx.msk [tilespmem:v43+s3+$0x0], $0xffff  }
0x6c: {  	v27 =	vadd.s32 v13, v27;
	v42 =	vperm.xlane v47, v21;
	v49 =	vld.idx.msk [tilespmem:v29+s3+$0x0], $0xffff;
	v7 =	vadd.bf16 v7, v8  }
0x6d: {  	v26 =	vadd.s32 v13, v26;
	v43 =	vperm.xlane v47, v61;
	v2 =	vld.idx.msk [tilespmem:v44+s3+$0x0], $0xffff;
	v44 =	vperm.xlane v47, v60  }
0x6e: {  	v29 =	vshll.u32 v45, $0x6;
	v53 =	vld.idx.msk [tilespmem:v57+s3+$0x0], $0xffff;
	v8 =	vadd.s32 v13, v28;
	v28 =	vunpack.i.l.bf16.f32 v7  }
0x6f: {  	v52 =	vadd.s32 v11, v29;
	v9 =	vld.idx.msk [tilespmem:v9+s3+$0x0], $0xffff;
	v59 =	vadd.s32 v15, v44;
	v7 =	vunpack.i.u.bf16.f32 v7;
	[tilespmem:s28+$0x40] =	vst v28  }
0x70: {  	v50 =	vld.idx.msk [tilespmem:v31+s3+$0x0], $0xffff;
	v29 =	vperm.xlane v52, v55;
	v28 =	vadd.s32 v15, v43;
	[tilespmem:s28+$0x50] =	vst v7  }
0x71: {  	v31 =	vperm.xlane v52, v46;
	v7 =	vadd.s32 v15, v42;
	v46 =	vld.idx.msk [tilespmem:v27+s3+$0x0], $0xffff  }
0x72: {  	v36 =	vperm.xlane v47, v10;
	v33 =	vperm.xlane v52, v54;
	v54 =	vadd.s32 v15, v29;
	v47 =	vld.idx.msk [tilespmem:v26+s3+$0x0], $0xffff  }
0x73: {  	v56 =	vadd.s32 v15, v31;
	v45 =	vld.idx.msk [tilespmem:v8+s3+$0x0], $0xffff  }
0x74: {  	v35 =	vperm.xlane v52, v58;
	v58 =	vadd.s32 v15, v33;
	v55 =	vld.idx.msk [tilespmem:v59+s3+$0x0], $0xffff  }
0x75: {  	v41 =	vadd.s32 v13, v41;
	v57 =	vld.idx.msk [tilespmem:v28+s3+$0x0], $0xffff  }
0x76: {  	v8 =	vadd.s32 v13, v25;
	v25 =	vperm.xlane v52, v60;
	v7 =	vld.idx.msk [tilespmem:v7+s3+$0x0], $0xffff  }
0x77: {  	v26 =	vperm.xlane v52, v61;
	v59 =	vadd.s32 v15, v36;
	v54 =	vld.idx.msk [tilespmem:v54+s3+$0x0], $0xffff  }
0x78: {  	v9 =	vadd.bf16 v49, v9;
	v50 =	vadd.bf16 v51, v50;
	v56 =	vld.idx.msk [tilespmem:v56+s3+$0x0], $0xffff;
	v61 =	vadd.s32 v15, v25  }
0x79: {  	v60 =	vadd.s32 v15, v35;
	v58 =	vld.idx.msk [tilespmem:v58+s3+$0x0], $0xffff;
	v28 =	vperm.xlane v52, v48  }
0x7a: {  	v27 =	vperm.xlane v52, v21;
	v63 =	vadd.s32 v15, v26;
	v9 =	vadd.bf16 v50, v9;
	v50 =	vld.idx.msk [tilespmem:v41+s3+$0x0], $0xffff  }
0x7b: {  	v48 =	vld.idx.msk [tilespmem:v8+s3+$0x0], $0xffff;
	v8 =	vadd.s32 v15, v28;
	v53 =	vadd.bf16 v55, v53;
	v7 =	vadd.bf16 v7, v57  }
0x7c: {  	v55 =	vadd.s32 v15, v27;
	v57 =	vld.idx.msk [tilespmem:v59+s3+$0x0], $0xffff  }
0x7d: {  	v40 =	vadd.s32 v13, v40;
	v49 =	vld.idx.msk [tilespmem:v61+s3+$0x0], $0xffff;
	v7 =	vadd.bf16 v7, v53  }
0x7e: {  	v59 =	vld.idx.msk [tilespmem:v60+s3+$0x0], $0xffff;
	v53 =	vadd.s32 v13, v30;
	v30 =	vperm.xlane v52, v10  }
0x7f: {  	v60 =	vld.idx.msk [tilespmem:v63+s3+$0x0], $0xffff;
	v7 =	vadd.bf16 v7, v9  }
0x80: {  	v8 =	vld.idx.msk [tilespmem:v8+s3+$0x0], $0xffff;
	v9 =	vadd.s32 v15, v30  }
0x81: {  	v41 =	vadd.s32 v62, v37;
	v55 =	vld.idx.msk [tilespmem:v55+s3+$0x0], $0xffff;
	v7 =	vadd.bf16 v57, v7  }
0x82: {  	v61 =	vadd.s32 v62, v38;
	v52 =	vld.idx.msk [tilespmem:v40+s3+$0x0], $0xffff  }
0x83: {  	s29 =	simm.s32 $0xE280;
	v40 =	vadd.bf16 v56, v54;
	v56 =	vadd.s32 v62, v44;
	v51 =	vld.idx.msk [tilespmem:v53+s3+$0x0], $0xffff;
	v53 =	vunpack.i.l.bf16.f32 v7  }
0x84: {  	v57 =	vadd.s32 v62, v32;
	v7 =	vunpack.i.u.bf16.f32 v7;
	[tilespmem:s29+$0x0] =	vst v53  }
0x85: {  	v54 =	vadd.bf16 v59, v58;
	v53 =	vadd.s32 v62, v34;
	v9 =	vld.idx.msk [tilespmem:v9+s3+$0x0], $0xffff;
	[tilespmem:s29+$0x10] =	vst v7  }
0x86: {  	v8 =	vadd.bf16 v49, v8;
	v60 =	vadd.bf16 v55, v60;
	v7 =	vadd.s32 v62, v39;
	v41 =	vld.idx.msk [tilespmem:v41+s3+$0x0], $0xffff  }
0x87: {  	v63 =	vadd.s32 v62, v43;
	v49 =	vld.idx.msk [tilespmem:v61+s3+$0x0], $0xffff  }
0x88: {  	v40 =	vadd.bf16 v54, v40;
	v8 =	vadd.bf16 v60, v8;
	v60 =	vadd.s32 v62, v42;
	v56 =	vld.idx.msk [tilespmem:v56+s3+$0x0], $0xffff  }
0x89: {  	v55 =	vld.idx.msk [tilespmem:v57+s3+$0x0], $0xffff  }
0x8a: {  	v23 =	vadd.s32 v13, v23;
	v8 =	vadd.bf16 v8, v40;
	v53 =	vld.idx.msk [tilespmem:v53+s3+$0x0], $0xffff  }
0x8b: {  	v58 =	vadd.s32 v12, v22;
	v40 =	vld.idx.msk [tilespmem:v7+s3+$0x0], $0xffff  }
0x8c: {  	v59 =	vadd.s32 v12, v24;
	v8 =	vadd.bf16 v9, v8;
	v9 =	vld.idx.msk [tilespmem:v63+s3+$0x0], $0xffff  }
0x8d: {  	v19 =	vadd.s32 v13, v19;
	v54 =	vld.idx.msk [tilespmem:v60+s3+$0x0], $0xffff  }
0x8e: {  	v60 =	vadd.s32 v62, v36  }
0x8f: {  	v24 =	vld.idx.msk [tilespmem:v23+s3+$0x0], $0xffff  }
0x90: {  	v23 =	vld.idx.msk [tilespmem:v58+s3+$0x0], $0xffff  }
0x91: {  	v58 =	vld.idx.msk [tilespmem:v59+s3+$0x0], $0xffff;
	v59 =	vadd.s32 v62, v26;
	v41 =	vadd.bf16 v41, v55;
	v49 =	vadd.bf16 v53, v49  }
0x92: {  	v7 =	vld.idx.msk [tilespmem:v19+s3+$0x0], $0xffff;
	v53 =	vadd.s32 v62, v28;
	v40 =	vadd.bf16 v56, v40;
	v9 =	vadd.bf16 v54, v9  }
0x93: {  	v19 =	vunpack.i.l.bf16.f32 v8;
	v8 =	vunpack.i.u.bf16.f32 v8;
	v54 =	vadd.s32 v62, v25;
	v56 =	vld.idx.msk [tilespmem:v60+s3+$0x0], $0xffff  }
0x94: {  	[tilespmem:s29+$0xFFFFFF80] =	vst v19;
	v41 =	vadd.bf16 v49, v41;
	v9 =	vadd.bf16 v9, v40;
	v40 =	vadd.s32 v62, v27  }
0x95: {  	v61 =	vadd.s32 v62, v31;
	[tilespmem:s29+$0xFFFFFF90] =	vst v8  }
0x96: {  	v5 =	vadd.bf16 v6, v5;
	v57 =	vadd.s32 v62, v29;
	v6 =	vld.idx.msk [tilespmem:v59+s3+$0x0], $0xffff;
	v9 =	vadd.bf16 v9, v41  }
0x97: {  	v0 =	vadd.bf16 v1, v0;
	v3 =	vadd.bf16 v4, v3;
	v55 =	vadd.s32 v62, v35;
	v1 =	vld.idx.msk [tilespmem:v53+s3+$0x0], $0xffff  }
0x98: {  	v4 =	vld.idx.msk [tilespmem:v54+s3+$0x0], $0xffff;
	v9 =	vadd.bf16 v56, v9  }
0x99: {  	v0 =	vadd.bf16 v3, v0;
	v2 =	vadd.bf16 v23, v2;
	v8 =	vadd.s32 v62, v33;
	v3 =	vld.idx.msk [tilespmem:v40+s3+$0x0], $0xffff  }
0x9a: {  	v60 =	vld.idx.msk [tilespmem:v61+s3+$0x0], $0xffff;
	v61 =	vadd.s32 v62, v30;
	v56 =	vunpack.i.l.bf16.f32 v9;
	v9 =	vunpack.i.u.bf16.f32 v9  }
0x9b: {  	v2 =	vadd.bf16 v2, v5;
	v57 =	vld.idx.msk [tilespmem:v57+s3+$0x0], $0xffff;
	[tilespmem:s29+$0x30] =	vst v9;
	v9 =	vadd.s32 v12, v39  }
0x9c: {  	s14 =	sadd.s32 $0x12, s0;
	v63 =	vadd.s32 v12, v32;
	v55 =	vld.idx.msk [tilespmem:v55+s3+$0x0], $0xffff  }
0x9d: {  	v23 =	vadd.s32 v12, v37;
	v0 =	vadd.bf16 v2, v0;
	v49 =	vld [tilespmem:s14+$0x0]  }
0x9e: {  	v8 =	vld.idx.msk [tilespmem:v8+s3+$0x0], $0xffff;
	v53 =	vadd.s32 v12, v38;
	v1 =	vadd.bf16 v4, v1;
	v3 =	vadd.bf16 v3, v6  }
0x9f: {  	v59 =	vadd.s32 v12, v44;
	v5 =	vld.idx.msk [tilespmem:v61+s3+$0x0], $0xffff;
	[tilespmem:s29+$0x20] =	vst v56  }
0xa0: {  	v0 =	vadd.bf16 v58, v0;
	v1 =	vadd.bf16 v3, v1;
	v3 =	vld.idx.msk [tilespmem:v9+s3+$0x0], $0xffff;
	v9 =	vadd.s32 v13, v16  }
0xa1: {  	v2 =	vld.idx.msk [tilespmem:v63+s3+$0x0], $0xffff;
	v6 =	vadd.s32 v12, v42  }
0xa2: {  	v40 =	vadd.s32 v12, v34;
	v23 =	vld.idx.msk [tilespmem:v23+s3+$0x0], $0xffff;
	v16 =	vunpack.i.l.bf16.f32 v0  }
0xa3: {  	v17 =	vadd.s32 v13, v17;
	v63 =	vadd.s32 v12, v43;
	v4 =	vld.idx.msk [tilespmem:v53+s3+$0x0], $0xffff;
	v0 =	vunpack.i.u.bf16.f32 v0;
	[tilespmem:s28+$0xFFFFFFC0] =	vst v16  }
0xa4: {  	v61 =	vadd.bf16 v60, v57;
	v8 =	vadd.bf16 v55, v8;
	v53 =	vld.idx.msk [tilespmem:v59+s3+$0x0], $0xffff;
	[tilespmem:s28+$0xFFFFFFD0] =	vst v0  }
0xa5: {  	v18 =	vadd.s32 v13, v18;
	v9 =	vld.idx.msk [tilespmem:v9+s3+$0x0], $0xffff  }
0xa6: {  	v8 =	vadd.bf16 v8, v61;
	v0 =	vld.idx.msk [tilespmem:v6+s3+$0x0], $0xffff;
	v6 =	vadd.s32 v13, v20  }
0xa7: {  	v40 =	vld.idx.msk [tilespmem:v40+s3+$0x0], $0xffff  }
0xa8: {  	v1 =	vadd.bf16 v1, v8;
	v8 =	vld.idx.msk [tilespmem:v63+s3+$0x0], $0xffff  }
0xa9: {  	v14 =	vadd.s32 v13, v14;
	v61 =	vld.idx.msk [tilespmem:v17+s3+$0x0], $0xffff  }
0xaa: {  	v60 =	vimm.s32 $0x0;
	v56 =	vld.idx.msk [tilespmem:v18+s3+$0x0], $0xffff;
	v1 =	vadd.bf16 v5, v1;
	v5 =	vadd.s32 v12, v36;
	[tilespmem:$0x1FFD0] =	vst v9  }
0xab: {  	v55 =	vadd.s32 v12, v33;
	v16 =	vadd.s32 v12, v29;
	v2 =	vadd.bf16 v23, v2;
	v6 =	vld.idx.msk [tilespmem:v6+s3+$0x0], $0xffff  }
0xac: {  	v17 =	vadd.s32 v12, v31;
	v9 =	vunpack.i.u.bf16.f32 v1;
	v1 =	vunpack.i.l.bf16.f32 v1  }
0xad: {  	v18 =	vadd.s32 v12, v35;
	v4 =	vadd.bf16 v40, v4;
	[tilespmem:s29+$0xFFFFFFA0] =	vst v1;
	v1 =	vshll.u32 v49, $0x6  }
0xae: {  	v0 =	vadd.bf16 v0, v8;
	v49 =	vld.idx.msk [tilespmem:v14+s3+$0x0], $0xffff;
	v58 =	vadd.s32 v11, v1;
	v1 =	vadd.bf16 v53, v3  }
0xaf: {  	v10 =	vimm.s32 $0x7;
	v2 =	vadd.bf16 v4, v2;
	[tilespmem:s29+$0xFFFFFFB0] =	vst v9;
	v5 =	vld.idx.msk [tilespmem:v5+s3+$0x0], $0xffff;
	v14 =	vperm.xlane v58, v60  }
0xb0: {  	v59 =	vmovc v11;
	v57 =	vld [tilespmem:s14+$0xFFFFFFF7];
	v3 =	vadd.s32 v12, v28;
	v11 =	vimm.s32 $0x1;
	v0 =	vadd.bf16 v0, v1;
	[tilespmem:$0x1FFE0] =	vst v6  }
0xb1: {  	v19 =	vimm.s32 $0x2;
	v40 =	vperm.xlane v58, v11;
	v1 =	vadd.s32 v15, v14;
	v21 =	vld.idx.msk [tilespmem:v16+s3+$0x0], $0xffff  }
0xb2: {  	v7 =	vadd.bf16 v7, v52;
	v8 =	vimm.s32 $0x5;
	v0 =	vadd.bf16 v0, v2;
	v20 =	vld.idx.msk [tilespmem:v17+s3+$0x0], $0xffff  }
0xb3: {  	v23 =	vperm.xlane v58, v19;
	v4 =	vadd.s32 v15, v40;
	v22 =	vld.idx.msk [tilespmem:v55+s3+$0x0], $0xffff;
	v17 =	vadd.bf16 v46, v45  }
0xb4: {  	v53 =	vld.idx.msk [tilespmem:v18+s3+$0x0], $0xffff;
	v16 =	vadd.s32 v13, v38;
	v18 =	vadd.bf16 v48, v47;
	v0 =	vadd.bf16 v5, v0  }
0xb5: {  	v9 =	vadd.s32 v15, v23;
	v55 =	vld.idx.msk [tilespmem:v3+s3+$0x0], $0xffff;
	v3 =	vadd.s32 v13, v37;
	v5 =	vadd.s32 v13, v32  }
0xb6: {  	v32 =	vimm.s32 $0x3;
	v45 =	vadd.bf16 v18, v17;
	v37 =	vld.idx.msk [tilespmem:v1+s3+$0x0], $0xffff;
	v1 =	vunpack.i.l.bf16.f32 v0  }
0xb7: {  	v18 =	vperm.xlane v58, v10;
	v0 =	vunpack.i.u.bf16.f32 v0;
	[tilespmem:s29+$0x40] =	vst v1;
	v1 =	vadd.s32 v13, v34  }
0xb8: {  	v6 =	vimm.s32 $0x6;
	[tilespmem:s29+$0x50] =	vst v0;
	v0 =	vadd.s32 v13, v39;
	v34 =	vperm.xlane v58, v32  }
0xb9: {  	v38 =	vadd.s32 v13, v44;
	v52 =	vadd.s32 v15, v18;
	v44 =	vld.idx.msk [tilespmem:v16+s3+$0x0], $0xffff;
	v16 =	vperm.xlane v58, v8  }
0xba: {  	v63 =	vimm.s32 $0x4;
	v17 =	vperm.xlane v58, v6;
	v4 =	vld.idx.msk [tilespmem:v4+s3+$0x0], $0xffff;
	v46 =	vadd.s32 v15, v34  }
0xbb: {  	v51 =	vadd.bf16 v51, v50;
	v54 =	vperm.xlane v58, v63;
	v9 =	vld.idx.msk [tilespmem:v9+s3+$0x0], $0xffff;
	v48 =	vadd.s32 v15, v16  }
0xbc: {  	v50 =	vadd.s32 v15, v17;
	v47 =	vld.idx.msk [tilespmem:v1+s3+$0x0], $0xffff  }
0xbd: {  	v1 =	vadd.bf16 v7, v51;
	v7 =	vadd.s32 v15, v54;
	v39 =	vld.idx.msk [tilespmem:v0+s3+$0x0], $0xffff  }
0xbe: {  	v52 =	vld.idx.msk [tilespmem:v52+s3+$0x0], $0xffff  }
0xbf: {  	v0 =	vshll.u32 v57, $0x6;
	v46 =	vld.idx.msk [tilespmem:v46+s3+$0x0], $0xffff  }
0xc0: {  	v1 =	vadd.bf16 v1, v45;
	v45 =	vadd.s32 v59, v0;
	v48 =	vld.idx.msk [tilespmem:v48+s3+$0x0], $0xffff  }
0xc1: {  	v43 =	vadd.s32 v13, v43;
	v2 =	vperm.xlane v45, v19;
	v19 =	vld.idx.msk [tilespmem:v50+s3+$0x0], $0xffff  }
0xc2: {  	v42 =	vadd.s32 v13, v42;
	v0 =	vperm.xlane v45, v60;
	v7 =	vld.idx.msk [tilespmem:v7+s3+$0x0], $0xffff  }
0xc3: {  	v3 =	vld.idx.msk [tilespmem:v3+s3+$0x0], $0xffff;
	v60 =	vadd.bf16 v24, v1;
	v1 =	vperm.xlane v45, v11  }
0xc4: {  	v38 =	vld.idx.msk [tilespmem:v38+s3+$0x0], $0xffff;
	v24 =	vadd.bf16 v56, v61;
	v56 =	vadd.s32 v15, v0  }
0xc5: {  	v5 =	vld.idx.msk [tilespmem:v5+s3+$0x0], $0xffff;
	v61 =	vadd.s32 v15, v1  }
0xc6: {  	v37 =	vadd.bf16 v4, v37;
	v51 =	vld.idx.msk [tilespmem:v43+s3+$0x0], $0xffff;
	v9 =	vadd.bf16 v46, v9  }
0xc7: {  	v57 =	vld.idx.msk [tilespmem:v42+s3+$0x0], $0xffff;
	v43 =	vadd.bf16 v52, v19;
	v7 =	vadd.bf16 v48, v7;
	_ =	sdelay $0x1  }
0xc8: {  	v41 =	vimm.s32 $0x8;
	v9 =	vadd.bf16 v9, v37;
	v56 =	vld.idx.msk [tilespmem:v56+s3+$0x0], $0xffff;
	v7 =	vadd.bf16 v43, v7  }
0xc9: {  	v5 =	vadd.bf16 v3, v5;
	v3 =	vperm.xlane v45, v63;
	v63 =	vperm.xlane v58, v41;
	v58 =	vld.idx.msk [tilespmem:v61+s3+$0x0], $0xffff  }
0xca: {  	v44 =	vadd.bf16 v47, v44;
	v9 =	vadd.bf16 v7, v9;
	v7 =	vld [tilespmem:$0x1FF60]  }
0xcb: {  	v38 =	vadd.bf16 v38, v39;
	v51 =	vadd.bf16 v57, v51  }
0xcc: {  	v59 =	vadd.s32 v12, v25;
	v42 =	vperm.xlane v45, v32  }
0xcd: {  	v47 =	vadd.s32 v15, v2;
	v44 =	vadd.bf16 v44, v5;
	v38 =	vadd.bf16 v51, v38  }
0xce: {  	v4 =	vperm.xlane v45, v6;
	v32 =	vadd.s32 v15, v42  }
0xcf: {  	v38 =	vadd.bf16 v38, v44;
	v44 =	vadd.bf16 v58, v56;
	v56 =	vadd.s32 v13, v7;
	v7 =	vld [tilespmem:$0x1FF70]  }
0xd0: {  	v50 =	vperm.xlane v45, v8;
	v8 =	vadd.s32 v15, v4  }
0xd1: {  	v57 =	vld.idx.msk [tilespmem:v59+s3+$0x0], $0xffff;
	v46 =	vadd.s32 v15, v63  }
0xd2: {  	v51 =	vadd.s32 v15, v3;
	v47 =	vld.idx.msk [tilespmem:v47+s3+$0x0], $0xffff  }
0xd3: {  	v5 =	vperm.xlane v45, v10;
	v52 =	vadd.s32 v15, v50;
	v39 =	vld.idx.msk [tilespmem:v32+s3+$0x0], $0xffff  }
0xd4: {  	v61 =	vadd.bf16 v20, v21;
	v20 =	vadd.s32 v13, v7;
	v7 =	vld [tilespmem:$0x1FF80]  }
0xd5: {  	v32 =	vadd.s32 v15, v5;
	v48 =	vadd.bf16 v53, v22;
	v22 =	vld.idx.msk [tilespmem:v8+s3+$0x0], $0xffff  }
0xd6: {  	v36 =	vadd.s32 v13, v36;
	v46 =	vld.idx.msk [tilespmem:v46+s3+$0x0], $0xffff  }
0xd7: {  	v6 =	vperm.xlane v45, v41;
	v11 =	vadd.s32 v12, v26;
	v51 =	vld.idx.msk [tilespmem:v51+s3+$0x0], $0xffff  }
0xd8: {  	v43 =	vadd.s32 v12, v27;
	v52 =	vld.idx.msk [tilespmem:v52+s3+$0x0], $0xffff  }
0xd9: {  	v45 =	vadd.s32 v15, v6;
	v58 =	vadd.s32 v13, v7;
	v7 =	vld [tilespmem:$0x1FF90]  }
0xda: {  	v8 =	vadd.s32 v13, v29;
	v39 =	vadd.bf16 v39, v47;
	v47 =	vadd.s32 v12, v30;
	v29 =	vld.idx.msk [tilespmem:v32+s3+$0x0], $0xffff  }
0xdb: {  	v36 =	vld.idx.msk [tilespmem:v36+s3+$0x0], $0xffff;
	v41 =	vadd.s32 v62, v23;
	v19 =	vadd.s32 v13, v33;
	v15 =	vadd.s32 v13, v35  }
0xdc: {  	v33 =	vadd.s32 v62, v14;
	v59 =	vld.idx.msk [tilespmem:v11+s3+$0x0], $0xffff;
	v35 =	vadd.bf16 v57, v55;
	[tilespmem:$0x1FFA0] =	vst v15  }
0xdd: {  	v15 =	vadd.s32 v13, v28;
	v9 =	vadd.bf16 v46, v9;
	v37 =	vld.idx.msk [tilespmem:v43+s3+$0x0], $0xffff;
	v39 =	vadd.bf16 v39, v44  }
0xde: {  	v44 =	vadd.s32 v62, v40;
	v11 =	vadd.s32 v13, v7;
	v7 =	vadd.s32 v13, v31;
	v31 =	vld.idx.msk [tilespmem:v45+s3+$0x0], $0xffff  }
0xdf: {  	s31 =	simm.s32 $0xE380;
	v57 =	vadd.bf16 v52, v51;
	v32 =	vunpack.i.l.bf16.f32 v9;
	v22 =	vadd.bf16 v29, v22;
	v45 =	vld.idx.msk [tilespmem:v47+s3+$0x0], $0xffff;
	[tilespmem:$0x1FFB0] =	vst v15  }
0xe0: {  	v9 =	vunpack.i.u.bf16.f32 v9;
	v28 =	vld.idx.msk [tilespmem:v56+s3+$0x0], $0xffff;
	[tilespmem:s31+$0x0] =	vst v32  }
0xe1: {  	v46 =	vadd.bf16 v22, v57;
	v57 =	vadd.s32 v62, v18;
	v52 =	vld.idx.msk [tilespmem:v20+s3+$0x0], $0xffff;
	[tilespmem:s31+$0x10] =	vst v9  }
0xe2: {  	v21 =	vadd.s32 v62, v5;
	v55 =	vadd.s32 v62, v16;
	v33 =	vld.idx.msk [tilespmem:v33+s3+$0x0], $0xffff  }
0xe3: {  	v48 =	vadd.bf16 v48, v61;
	v61 =	vadd.s32 v13, v26;
	v47 =	vadd.s32 v62, v34;
	v44 =	vld.idx.msk [tilespmem:v44+s3+$0x0], $0xffff  }
0xe4: {  	v53 =	vunpack.i.l.bf16.f32 v60;
	v26 =	vmovc v14;
	v14 =	vadd.s32 v13, v27;
	v37 =	vadd.bf16 v37, v59;
	v51 =	vld.idx.msk [tilespmem:v41+s3+$0x0], $0xffff  }
0xe5: {  	v43 =	vadd.s32 v13, v30;
	v29 =	vunpack.i.u.bf16.f32 v60;
	v60 =	vadd.s32 v13, v25;
	[tilespmem:$0x1FFC0] =	vst v14;
	v10 =	vld [tilespmem:$0x1FFD0]  }
0xe6: {  	v35 =	vadd.bf16 v37, v35;
	v9 =	vadd.s32 v62, v54;
	v14 =	vadd.bf16 v36, v38;
	v38 =	vld.idx.msk [tilespmem:v57+s3+$0x0], $0xffff  }
0xe7: {  	v22 =	vadd.s32 v62, v3;
	v27 =	vadd.bf16 v46, v39;
	v56 =	vadd.s32 v62, v17;
	v37 =	vld.idx.msk [tilespmem:v58+s3+$0x0], $0xffff  }
0xe8: {  	v39 =	vadd.s32 v62, v0;
	v46 =	vadd.s32 v62, v1;
	v35 =	vadd.bf16 v35, v48;
	v30 =	vld.idx.msk [tilespmem:v47+s3+$0x0], $0xffff  }
0xe9: {  	v15 =	vadd.s32 v62, v50;
	v20 =	vadd.s32 v62, v4;
	v27 =	vadd.bf16 v31, v27;
	v31 =	vld.idx.msk [tilespmem:v55+s3+$0x0], $0xffff  }
0xea: {  	v32 =	vadd.s32 v12, v50;
	v58 =	vadd.s32 v12, v0;
	v57 =	vadd.s32 v12, v42;
	v25 =	vld.idx.msk [tilespmem:v11+s3+$0x0], $0xffff  }
0xeb: {  	v47 =	vadd.s32 v62, v2;
	v55 =	vmovc v16;
	v9 =	vld.idx.msk [tilespmem:v9+s3+$0x0], $0xffff;
	v59 =	vadd.bf16 v49, v10;
	v41 =	vunpack.i.l.bf16.f32 v27  }
0xec: {  	v36 =	vld.idx.msk [tilespmem:v56+s3+$0x0], $0xffff;
	v56 =	vadd.s32 v12, v3;
	v49 =	vadd.s32 v62, v42;
	v27 =	vunpack.i.u.bf16.f32 v27;
	[tilespmem:s31+$0xFFFFFF80] =	vst v41  }
0xed: {  	v33 =	vadd.bf16 v44, v33;
	v41 =	vadd.s32 v12, v2;
	v10 =	vadd.bf16 v59, v24;
	v16 =	vld [tilespmem:$0x1FFE0];
	[tilespmem:s31+$0xFFFFFF90] =	vst v27  }
0xee: {  	v24 =	vadd.s32 v62, v6;
	v27 =	vadd.bf16 v45, v35;
	v35 =	vadd.s32 v62, v63;
	v48 =	vld.idx.msk [tilespmem:v39+s3+$0x0], $0xffff  }
0xef: {  	v45 =	vadd.s32 v12, v1;
	[tilespmem:s28+$0x70] =	vst v29;
	v59 =	vadd.s32 v13, v42;
	v42 =	vunpack.i.l.bf16.f32 v14;
	v46 =	vld.idx.msk [tilespmem:v46+s3+$0x0], $0xffff  }
0xf0: {  	[tilespmem:s28+$0x60] =	vst v53;
	v30 =	vadd.bf16 v30, v51;
	v39 =	vadd.s32 v12, v4;
	v9 =	vadd.bf16 v31, v9  }
0xf1: {  	v51 =	vld.idx.msk [tilespmem:v47+s3+$0x0], $0xffff;
	v47 =	vadd.s32 v13, v4;
	v29 =	vadd.bf16 v38, v36;
	v31 =	vadd.bf16 v37, v52  }
0xf2: {  	v22 =	vld.idx.msk [tilespmem:v22+s3+$0x0], $0xffff;
	v38 =	vadd.s32 v12, v6;
	v37 =	vadd.s32 v13, v50;
	v28 =	vadd.bf16 v28, v16  }
0xf3: {  	v30 =	vadd.bf16 v30, v33;
	v44 =	vadd.bf16 v29, v9;
	v29 =	vadd.s32 v13, v1;
	v52 =	vld.idx.msk [tilespmem:v35+s3+$0x0], $0xffff  }
0xf4: {  	v35 =	vadd.s32 v13, v0;
	v0 =	vld.idx.msk [tilespmem:v49+s3+$0x0], $0xffff;
	v9 =	vadd.bf16 v46, v48;
	v31 =	vadd.bf16 v31, v28  }
0xf5: {  	[tilespmem:s29+$0x60] =	vst v42;
	v50 =	vld.idx.msk [tilespmem:v21+s3+$0x0], $0xffff;
	v1 =	vadd.bf16 v44, v30;
	v30 =	vunpack.i.u.bf16.f32 v14;
	v48 =	vadd.s32 v13, v2  }
0xf6: {  	p1 =	slt.s32 s23, $0xBB5;
	s0 =	smov.u32 s23;
	v44 =	vadd.s32 v13, v3;
	v3 =	vunpack.i.u.bf16.f32 v27;
	[tilespmem:s29+$0x70] =	vst v30;
	v2 =	vadd.bf16 v31, v10;
	v10 =	vld.idx.msk [tilespmem:v15+s3+$0x0], $0xffff  }
0xf7: {  	s0 =	simm.s32 @!p1 $0xBB5;
	v33 =	vadd.s32 v13, v5;
	v16 =	vadd.s32 v12, v5;
	v49 =	vld.idx.msk [tilespmem:v20+s3+$0x0], $0xffff;
	v30 =	vunpack.i.l.bf16.f32 v27;
	[tilespmem:s29+$0xFFFFFFD0] =	vst v3  }
0xf8: {  	s0 =	sadd.s32 s0, s12;
	v28 =	vadd.s32 v13, v6;
	v6 =	vld.idx.msk [tilespmem:v24+s3+$0x0], $0xffff;
	[tilespmem:s29+$0xFFFFFFC0] =	vst v30;
	v4 =	vadd.bf16 v52, v1  }
0xf9: {  	s26 =	sshll.u32 s25, $0x8;
	s0 =	sand.u32 $0x7, s0;
	v5 =	vld.idx.msk [tilespmem:v7+s3+$0x0], $0xffff;
	v7 =	vadd.s32 v12, v23;
	v52 =	vadd.s32 v12, v26;
	v53 =	vadd.bf16 v0, v51  }
0xfa: {  	s1 =	smin.u32 s26, $0xBB5;
	s30 =	sadd.s32 $0x16609, s0;
	v27 =	vmovc v40;
	v3 =	vld.idx.msk [tilespmem:v8+s3+$0x0], $0xffff;
	v51 =	vadd.s32 v12, v40;
	v0 =	vadd.bf16 v25, v2;
	v46 =	vunpack.i.l.bf16.f32 v4  }
0xfb: {  	s0 =	sadd.s32 s6, s1;
	s1 =	simm.s32 $0x4;
	s14 =	sadd.s32 $0x12, s14;
	v11 =	vld.idx.msk [tilespmem:v19+s3+$0x0], $0xffff;
	v8 =	vunpack.i.u.bf16.f32 v4;
	v4 =	vadd.s32 v12, v34;
	[tilespmem:s31+$0x20] =	vst v46;
	v1 =	vadd.bf16 v10, v22  }
.LBB2_3:
0xfc: {  	[tilespmem:$0x1FE60] =	vst v37;
	v37 =	vadd.bf16 v50, v49  }
0xfd: {  	v2 =	vld [tilespmem:s14+$0x0];
	[tilespmem:s31+$0x30] =	vst v8;
	v36 =	vunpack.i.u.bf16.f32 v0;
	v0 =	vunpack.i.l.bf16.f32 v0  }
0xfe: {  	v8 =	vadd.s32 v12, v54;
	v9 =	vadd.bf16 v53, v9;
	[tilespmem:s28+$0xFFFFFFE0] =	vst v0;
	v0 =	vadd.bf16 v37, v1;
	_ =	sdelay $0x1  }
0xff: {  	v0 =	vadd.bf16 v0, v9  }
0x100: {  	v3 =	vadd.bf16 v5, v3  }
0x101: {  	[tilespmem:s28+$0xFFFFFFF0] =	vst v36;
	v0 =	vadd.bf16 v6, v0  }
0x102: {  	[tilespmem:$0x1FE40] =	vst v3;
	v3 =	vld.idx.msk [tilespmem:v8+s3+$0x0], $0xffff  }
0x103: {  	v8 =	vld [tilespmem:s14+$0xFFFFFFF7];
	v9 =	vunpack.i.u.bf16.f32 v0;
	v0 =	vunpack.i.l.bf16.f32 v0  }
0x104: {  	[tilespmem:s31+$0xFFFFFFA0] =	vst v0;
	v0 =	vld [tilespmem:$0x1FFA0];
	_ =	sdelay $0x7  }
0x105: {  	v0 =	vld.idx.msk [tilespmem:v0+s3+$0x0], $0xffff;
	_ =	sdelay $0x4  }
0x106: {  	[tilespmem:$0x1FE10] =	vst v0;
	v0 =	vmov v59  }
0x107: {  	v40 =	vadd.s32 v12, v55;
	[tilespmem:$0x1FFA0] =	vst v0;
	v0 =	vshll.u32 v2, $0x6;
	v2 =	vld [tilespmem:$0x1FFB0]  }
0x108: {  	[tilespmem:$0x1FE80] =	vst v43;
	v43 =	vadd.s32 v12, v17;
	v22 =	vld [tilespmem:$0x1FFF0]  }
0x109: {  	v1 =	vld.idx.msk [tilespmem:v7+s3+$0x0], $0xffff;
	v7 =	vadd.s32 v12, v18  }
0x10a: {  	v52 =	vld.idx.msk [tilespmem:v52+s3+$0x0], $0xffff  }
0x10b: {  	v4 =	vld.idx.msk [tilespmem:v4+s3+$0x0], $0xffff  }
0x10c: {  	v5 =	vld.idx.msk [tilespmem:v40+s3+$0x0], $0xffff  }
0x10d: {  	v6 =	vld.idx.msk [tilespmem:v43+s3+$0x0], $0xffff  }
0x10e: {  	v7 =	vld.idx.msk [tilespmem:v7+s3+$0x0], $0xffff;
	[tilespmem:s31+$0xFFFFFFB0] =	vst v9  }
0x10f: {  	[tilespmem:$0x1FE00] =	vst v60;
	v2 =	vld.idx.msk [tilespmem:v2+s3+$0x0], $0xffff  }
0x110: {  	[tilespmem:$0x1FE70] =	vst v33;
	v42 =	vld.idx.msk [tilespmem:v51+s3+$0x0], $0xffff  }
0x111: {  	[tilespmem:$0x1FF30] =	vst v35;
	v10 =	vmov v48;
	v46 =	vadd.s32 v12, v63;
	v21 =	vimm.s32 $0x0  }
0x112: {  	v14 =	vimm.s32 $0x2;
	v15 =	vimm.s32 $0x3;
	[tilespmem:$0x1FF50] =	vst v10;
	v20 =	vadd.s32 v22, v0  }
0x113: {  	v60 =	vlaneseq.u32;
	[tilespmem:$0x1FE20] =	vst v11;
	v1 =	vadd.bf16 v4, v1;
	v11 =	vperm.xlane v20, v14  }
0x114: {  	v10 =	vimm.s32 $0x1;
	v33 =	vadd.bf16 v5, v3;
	v6 =	vadd.bf16 v7, v6;
	v49 =	vld.idx.msk [tilespmem:v45+s3+$0x0], $0xffff;
	[tilespmem:$0x1FE50] =	vst v2;
	v2 =	vmovc v44  }
0x115: {  	v4 =	vperm.xlane v20, v10;
	v35 =	vadd.s32 v60, v11;
	[tilespmem:$0x1FFB0] =	vst v2;
	v2 =	vadd.bf16 v42, v52  }
0x116: {  	v25 =	vimm.s32 $0x4;
	v6 =	vadd.bf16 v6, v33;
	v59 =	vld.idx.msk [tilespmem:v46+s3+$0x0], $0xffff;
	v9 =	vperm.xlane v20, v21  }
0x117: {  	v3 =	vld.idx.msk [tilespmem:v41+s3+$0x0], $0xffff;
	v40 =	vadd.s32 v60, v4;
	v52 =	vperm.xlane v20, v15;
	v1 =	vadd.bf16 v1, v2  }
0x118: {  	v0 =	vld.idx.msk [tilespmem:v39+s3+$0x0], $0xffff;
	v53 =	vperm.xlane v20, v25;
	v7 =	vadd.s32 v60, v9  }
0x119: {  	[tilespmem:$0x1FE90] =	vst v28;
	v5 =	vld.idx.msk [tilespmem:v57+s3+$0x0], $0xffff;
	v45 =	vadd.s32 v60, v52;
	v1 =	vadd.bf16 v6, v1  }
0x11a: {  	v50 =	vmovc v38;
	v39 =	vadd.s32 v13, v26;
	v38 =	vadd.s32 v60, v53;
	v26 =	vld.idx.msk [tilespmem:v35+s3+$0x0], $0xffff;
	v2 =	vshll.u32 v8, $0x6  }
0x11b: {  	v23 =	vadd.s32 v13, v23;
	v37 =	vadd.s32 v22, v2;
	v2 =	vld.idx.msk [tilespmem:v32+s3+$0x0], $0xffff;
	v1 =	vadd.bf16 v59, v1  }
0x11c: {  	v43 =	vperm.xlane v37, v10;
	v10 =	vperm.xlane v37, v25;
	v25 =	vld.idx.msk [tilespmem:v40+s3+$0x0], $0xffff;
	v40 =	vadd.s32 v13, v27  }
0x11d: {  	[tilespmem:$0x1FE30] =	vst v0;
	v22 =	vld.idx.msk [tilespmem:v7+s3+$0x0], $0xffff;
	v48 =	vperm.xlane v37, v21;
	v24 =	vperm.xlane v37, v15;
	v15 =	vunpack.i.l.bf16.f32 v1  }
0x11e: {  	v34 =	vadd.s32 v13, v34;
	v27 =	vld.idx.msk [tilespmem:v45+s3+$0x0], $0xffff;
	v1 =	vunpack.i.u.bf16.f32 v1;
	[tilespmem:s31+$0x40] =	vst v15  }
0x11f: {  	v41 =	vadd.s32 v13, v18;
	v44 =	vimm.s32 $0x6;
	v0 =	vadd.s32 v62, v48;
	v28 =	vld.idx.msk [tilespmem:v38+s3+$0x0], $0xffff;
	[tilespmem:s31+$0x50] =	vst v1  }
0x120: {  	v21 =	vperm.xlane v37, v14;
	v14 =	vimm.s32 $0x5;
	[tilespmem:$0x1FEA0] =	vst v0;
	v1 =	vadd.s32 v13, v54;
	v39 =	vld.idx.msk [tilespmem:v39+s3+$0x0], $0xffff  }
0x121: {  	v0 =	vadd.s32 v62, v43;
	v38 =	vadd.s32 v13, v55;
	v55 =	vperm.xlane v20, v14;
	v30 =	vld.idx.msk [tilespmem:v40+s3+$0x0], $0xffff  }
0x122: {  	v6 =	vperm.xlane v37, v44;
	[tilespmem:$0x1FEB0] =	vst v0;
	v54 =	vadd.s32 v13, v17;
	v23 =	vld.idx.msk [tilespmem:v23+s3+$0x0], $0xffff  }
0x123: {  	v0 =	vadd.s32 v62, v21;
	v17 =	vperm.xlane v20, v44;
	v34 =	vld.idx.msk [tilespmem:v34+s3+$0x0], $0xffff;
	v44 =	vadd.s32 v60, v55  }
0x124: {  	v7 =	vperm.xlane v37, v14;
	[tilespmem:$0x1FEC0] =	vst v0;
	v0 =	vadd.s32 v62, v24;
	v40 =	vld.idx.msk [tilespmem:v41+s3+$0x0], $0xffff  }
0x125: {  	[tilespmem:$0x1FED0] =	vst v0;
	v0 =	vadd.s32 v62, v10;
	v1 =	vld.idx.msk [tilespmem:v1+s3+$0x0], $0xffff  }
0x126: {  	v46 =	vmov v16;
	v16 =	vmov v61;
	[tilespmem:$0x1FEE0] =	vst v0;
	v0 =	vadd.s32 v62, v7;
	v38 =	vld.idx.msk [tilespmem:v38+s3+$0x0], $0xffff  }
0x127: {  	v61 =	vmov v4;
	v4 =	vadd.s32 v60, v48;
	[tilespmem:$0x1FEF0] =	vst v0;
	v0 =	vadd.s32 v62, v6;
	v54 =	vld.idx.msk [tilespmem:v54+s3+$0x0], $0xffff  }
0x128: {  	v57 =	vimm.s32 $0x8;
	v32 =	vadd.s32 v60, v43;
	[tilespmem:$0x1FF00] =	vst v0;
	v0 =	vld.idx.msk [tilespmem:v44+s3+$0x0], $0xffff;
	v44 =	vadd.s32 v13, v63  }
0x129: {  	[tilespmem:$0x1FF40] =	vst v29;
	v51 =	vld.idx.msk [tilespmem:v58+s3+$0x0], $0xffff;
	v29 =	vadd.s32 v60, v21;
	v31 =	vadd.s32 v60, v24;
	v15 =	vimm.s32 $0x7  }
0x12a: {  	v58 =	vmovc v9;
	v33 =	vadd.s32 v60, v10;
	v35 =	vadd.s32 v60, v6;
	v9 =	vperm.xlane v37, v15  }
0x12b: {  	v18 =	vperm.xlane v20, v15;
	v14 =	vadd.s32 v60, v7;
	v15 =	vperm.xlane v37, v57  }
0x12c: {  	v45 =	vadd.s32 v60, v17;
	v30 =	vadd.bf16 v30, v39;
	v23 =	vadd.bf16 v34, v23  }
0x12d: {  	v63 =	vadd.s32 v62, v15;
	v1 =	vadd.bf16 v38, v1;
	v34 =	vld.idx.msk [tilespmem:v44+s3+$0x0], $0xffff;
	v44 =	vadd.bf16 v40, v54  }
0x12e: {  	v36 =	vadd.s32 v60, v9;
	v59 =	vadd.s32 v62, v9;
	[tilespmem:$0x1FF20] =	vst v63;
	v63 =	vperm.xlane v20, v57  }
0x12f: {  	[tilespmem:$0x1FF10] =	vst v59;
	v59 =	vld.idx.msk [tilespmem:v4+s3+$0x0], $0xffff;
	v23 =	vadd.bf16 v23, v30;
	v30 =	vadd.bf16 v44, v1  }
0x130: {  	v37 =	vadd.s32 v60, v18;
	v19 =	vadd.s32 v60, v15;
	v4 =	vadd.s32 v60, v63;
	v60 =	vld.idx.msk [tilespmem:v32+s3+$0x0], $0xffff  }
0x131: {  	v23 =	vadd.bf16 v30, v23  }
0x132: {  	v22 =	vadd.bf16 v25, v22;
	v25 =	vadd.bf16 v27, v26  }
0x133: {  	v41 =	vadd.s32 v12, v21;
	v20 =	vld.idx.msk [tilespmem:v45+s3+$0x0], $0xffff;
	v45 =	vadd.s32 v12, v48;
	v57 =	vadd.s32 v12, v24  }
0x134: {  	v1 =	vadd.s32 v13, v48;
	v48 =	vadd.s32 v13, v21;
	v21 =	vadd.bf16 v25, v22  }
0x135: {  	v25 =	vadd.bf16 v60, v59;
	v59 =	vadd.s32 v13, v24;
	v24 =	vadd.bf16 v34, v23;
	v23 =	vmovc v11;
	v11 =	vld [tilespmem:$0x1FE00]  }
0x136: {  	v8 =	vld.idx.msk [tilespmem:v56+s3+$0x0], $0xffff;
	_ =	sdelay $0x1  }
0x137: {  	v37 =	vld.idx.msk [tilespmem:v37+s3+$0x0], $0xffff  }
0x138: {  	v26 =	vld.idx.msk [tilespmem:v31+s3+$0x0], $0xffff  }
0x139: {  	v31 =	vld.idx.msk [tilespmem:v4+s3+$0x0], $0xffff  }
0x13a: {  	v2 =	vadd.bf16 v2, v8;
	v30 =	vld.idx.msk [tilespmem:v16+s3+$0x0], $0xffff;
	v8 =	vunpack.i.u.bf16.f32 v24  }
0x13b: {  	s28 =	smov.u32 s29;
	s29 =	smov.u32 s31;
	v16 =	vld [tilespmem:$0x1FE20];
	v24 =	vunpack.i.l.bf16.f32 v24;
	[tilespmem:s31+$0x70] =	vst v8  }
0x13c: {  	v28 =	vadd.bf16 v0, v28;
	v20 =	vadd.bf16 v37, v20;
	[tilespmem:s29+$0x60] =	vst v24;
	v24 =	vld.idx.msk [tilespmem:v11+s3+$0x0], $0xffff  }
0x13d: {  	v11 =	vld [tilespmem:$0x1FE10]  }
0x13e: {  	v20 =	vadd.bf16 v20, v28;
	_ =	sdelay $0x1  }
0x13f: {  	v56 =	vadd.s32 v12, v10;
	v44 =	vadd.s32 v13, v10;
	v10 =	vadd.bf16 v20, v21  }
0x140: {  	v21 =	vld.idx.msk [tilespmem:v46+s3+$0x0], $0xffff  }
0x141: {  	v0 =	vadd.bf16 v31, v10;
	v31 =	vadd.bf16 v11, v16;
	v11 =	vld [tilespmem:$0x1FE30];
	_ =	sdelay $0x4  }
0x142: {  	v21 =	vadd.bf16 v21, v11;
	v11 =	vld [tilespmem:$0x1FE40];
	_ =	sdelay $0x2  }
0x143: {  	v29 =	vld.idx.msk [tilespmem:v29+s3+$0x0], $0xffff  }
0x144: {  	v33 =	vld.idx.msk [tilespmem:v33+s3+$0x0], $0xffff  }
0x145: {  	v31 =	vadd.bf16 v31, v11;
	v11 =	vld [tilespmem:$0x1FE50]  }
0x146: {  	v14 =	vld.idx.msk [tilespmem:v14+s3+$0x0], $0xffff  }
0x147: {  	v22 =	vld.idx.msk [tilespmem:v35+s3+$0x0], $0xffff  }
0x148: {  	v28 =	vld.idx.msk [tilespmem:v36+s3+$0x0], $0xffff;
	_ =	sdelay $0x1  }
0x149: {  	v2 =	vadd.bf16 v21, v2;
	v21 =	vadd.bf16 v24, v11;
	v11 =	vld [tilespmem:$0x1FE60];
	_ =	sdelay $0x1  }
0x14a: {  	v14 =	vadd.bf16 v14, v33  }
0x14b: {  	v20 =	vadd.bf16 v26, v29;
	v22 =	vadd.bf16 v28, v22  }
0x14c: {  	v3 =	vadd.bf16 v5, v3;
	v5 =	vld.idx.msk [tilespmem:v19+s3+$0x0], $0xffff;
	v40 =	vadd.s32 v12, v9  }
0x14d: {  	v9 =	vadd.s32 v13, v9;
	v8 =	vadd.bf16 v20, v25;
	v14 =	vadd.bf16 v22, v14;
	v60 =	vmovc v11;
	v11 =	vld [tilespmem:$0x1FFC0]  }
0x14e: {  	v33 =	vmov v9;
	v9 =	vld [tilespmem:$0x1FE80]  }
0x14f: {  	v22 =	vadd.s32 v62, v17;
	v8 =	vadd.bf16 v14, v8  }
0x150: {  	v27 =	vadd.s32 v12, v15;
	v39 =	vadd.s32 v12, v6;
	v54 =	vadd.bf16 v49, v51  }
0x151: {  	v6 =	vadd.s32 v13, v6;
	s31 =	sadd.s32 $0x100, s31;
	v26 =	vunpack.i.l.bf16.f32 v0;
	v5 =	vadd.bf16 v5, v8  }
0x152: {  	v38 =	vmovc v27;
	v3 =	vadd.bf16 v3, v54;
	v20 =	vadd.s32 v62, v61;
	v0 =	vunpack.i.u.bf16.f32 v0;
	[tilespmem:s31+$0x0] =	vst v26  }
0x153: {  	v27 =	vmovc v61;
	v25 =	vld.idx.msk [tilespmem:v50+s3+$0x0], $0xffff;
	v61 =	vmovc v47;
	v47 =	vmov v6;
	[tilespmem:s31+$0x10] =	vst v0;
	v6 =	vunpack.i.u.bf16.f32 v5;
	v5 =	vunpack.i.l.bf16.f32 v5  }
0x154: {  	[tilespmem:s31+$0xFFFFFF80] =	vst v5;
	v2 =	vadd.bf16 v2, v3;
	v3 =	vld.idx.msk [tilespmem:v22+s3+$0x0], $0xffff  }
0x155: {  	v22 =	vld.idx.msk [tilespmem:v11+s3+$0x0], $0xffff;
	[tilespmem:s31+$0xFFFFFF90] =	vst v6  }
0x156: {  	v24 =	vld.idx.msk [tilespmem:v9+s3+$0x0], $0xffff  }
0x157: {  	v9 =	vld [tilespmem:$0x1FE90];
	_ =	sdelay $0x4  }
0x158: {  	v42 =	vadd.s32 v12, v43;
	v4 =	vadd.s32 v13, v43;
	v43 =	vmov v9;
	v9 =	vld [tilespmem:$0x1FEA0];
	_ =	sdelay $0x5  }
0x159: {  	v28 =	vadd.s32 v62, v55;
	v2 =	vadd.bf16 v25, v2  }
0x15a: {  	v51 =	vadd.s32 v62, v18  }
0x15b: {  	v0 =	vadd.s32 v62, v53;
	v6 =	vunpack.i.u.bf16.f32 v2;
	v2 =	vunpack.i.l.bf16.f32 v2;
	v9 =	vld.idx.msk [tilespmem:v9+s3+$0x0], $0xffff  }
0x15c: {  	[tilespmem:s29+$0xFFFFFFC0] =	vst v2;
	v2 =	vld [tilespmem:$0x1FEB0]  }
0x15d: {  	v32 =	vadd.s32 v12, v7;
	v7 =	vadd.s32 v13, v7;
	v10 =	vadd.s32 v62, v58  }
0x15e: {  	v37 =	vmov v7;
	v7 =	vld.idx.msk [tilespmem:v28+s3+$0x0], $0xffff  }
0x15f: {  	v8 =	vld.idx.msk [tilespmem:v51+s3+$0x0], $0xffff  }
0x160: {  	v0 =	vld.idx.msk [tilespmem:v0+s3+$0x0], $0xffff  }
0x161: {  	v29 =	vadd.s32 v62, v23  }
0x162: {  	v10 =	vld.idx.msk [tilespmem:v10+s3+$0x0], $0xffff  }
0x163: {  	v26 =	vadd.s32 v62, v52;
	v20 =	vld.idx.msk [tilespmem:v20+s3+$0x0], $0xffff  }
0x164: {  	v2 =	vld.idx.msk [tilespmem:v2+s3+$0x0], $0xffff  }
0x165: {  	v0 =	vadd.bf16 v7, v0;
	v3 =	vadd.bf16 v8, v3;
	[tilespmem:s29+$0xFFFFFFD0] =	vst v6;
	v6 =	vld [tilespmem:$0x1FEC0]  }
0x166: {  	v29 =	vld.idx.msk [tilespmem:v29+s3+$0x0], $0xffff  }
0x167: {  	v0 =	vadd.bf16 v3, v0;
	v3 =	vld [tilespmem:$0x1FEF0]  }
0x168: {  	v14 =	vld.idx.msk [tilespmem:v26+s3+$0x0], $0xffff;
	_ =	sdelay $0x3  }
0x169: {  	v15 =	vadd.s32 v13, v15  }
0x16a: {  	v28 =	vmov v15;
	v15 =	vld.idx.msk [tilespmem:v6+s3+$0x0], $0xffff;
	v6 =	vadd.bf16 v20, v10;
	v10 =	vadd.bf16 v14, v29  }
0x16b: {  	v8 =	vadd.bf16 v22, v30;
	v9 =	vadd.bf16 v2, v9;
	v2 =	vld [tilespmem:$0x1FF10]  }
0x16c: {  	v5 =	vadd.s32 v62, v63;
	v6 =	vadd.bf16 v10, v6;
	v10 =	vld.idx.msk [tilespmem:v3+s3+$0x0], $0xffff  }
0x16d: {  	v3 =	vadd.bf16 v8, v21;
	v8 =	vld [tilespmem:$0x1FF00];
	_ =	sdelay $0x3  }
0x16e: {  	v5 =	vld.idx.msk [tilespmem:v5+s3+$0x0], $0xffff  }
0x16f: {  	v19 =	vld [tilespmem:$0x1FE70]  }
0x170: {  	v50 =	vld.idx.msk [tilespmem:v2+s3+$0x0], $0xffff  }
0x171: {  	v0 =	vadd.bf16 v0, v6;
	v2 =	vadd.bf16 v3, v31;
	v3 =	vld [tilespmem:$0x1FF20]  }
0x172: {  	v49 =	vld.idx.msk [tilespmem:v8+s3+$0x0], $0xffff  }
0x173: {  	v8 =	vadd.bf16 v5, v0;
	v0 =	vld [tilespmem:$0x1FF30];
	_ =	sdelay $0x2  }
0x174: {  	v7 =	vld [tilespmem:$0x1FED0];
	v11 =	vmov v19  }
0x175: {  	[tilespmem:$0x1FFC0] =	vst v11;
	v11 =	vld [tilespmem:$0x1FEE0];
	_ =	sdelay $0x1  }
0x176: {  	v5 =	vld [tilespmem:$0x1FF40]  }
0x177: {  	v6 =	vld.idx.msk [tilespmem:v3+s3+$0x0], $0xffff  }
0x178: {  	v3 =	vld.idx.msk [tilespmem:v0+s3+$0x0], $0xffff;
	v0 =	vadd.bf16 v24, v2;
	v2 =	vunpack.i.l.bf16.f32 v8  }
0x179: {  	[tilespmem:s31+$0x20] =	vst v2;
	v2 =	vld [tilespmem:$0x1FF50];
	_ =	sdelay $0x1  }
0x17a: {  	s1 =	sadd.s32 $0x2, s1;
	v7 =	vld.idx.msk [tilespmem:v7+s3+$0x0], $0xffff  }
0x17b: {  	p1 =	slt.u32 s1, $0x7E;
	v14 =	vld.idx.msk [tilespmem:v11+s3+$0x0], $0xffff  }
.Ltmp2:
0x17c: {  	_ = 	snop;
	(pc) =	sbr.rel @p1 .LBB2_3-.Ltmp2, $4  }
0x17d: {  	v35 =	vmov v1;
	v26 =	vmov v58  }
0x17e: {  	v54 =	vmovc v53;
	v34 =	vmovc v52;
	v51 =	vadd.s32 v12, v27;
	v58 =	vmov v45;
	v52 =	vadd.s32 v12, v26  }
0x17f: {  	v45 =	vmovc v42;
	v29 =	vmov v4;
	v4 =	vadd.s32 v12, v34;
	v53 =	vadd.bf16 v7, v15;
	v5 =	vld.idx.msk [tilespmem:v5+s3+$0x0], $0xffff  }
0x180: {  	s14 =	sadd.s32 $0x12, s14;
	v16 =	vmovc v40;
	v7 =	vadd.s32 v12, v23;
	v1 =	vadd.bf16 v10, v14;
	v8 =	vunpack.i.u.bf16.f32 v8;
	v11 =	vld.idx.msk [tilespmem:v2+s3+$0x0], $0xffff  }
0x181: {  	_ =	sdelay $0x1  }
0x182: {  	[tilespmem:s31+$0x30] =	vst v8;
	v8 =	vadd.bf16 v50, v49  }
0x183: {  	v2 =	vadd.s32 v12, v54  }
0x184: {  	v14 =	vadd.s32 v12, v55;
	v9 =	vadd.bf16 v53, v9;
	v10 =	vld.idx.msk [tilespmem:v52+s3+$0x0], $0xffff;
	v1 =	vadd.bf16 v8, v1  }
0x185: {  	v20 =	vadd.s32 v12, v17;
	v15 =	vld.idx.msk [tilespmem:v51+s3+$0x0], $0xffff  }
0x186: {  	v7 =	vld.idx.msk [tilespmem:v7+s3+$0x0], $0xffff;
	v8 =	vadd.s32 v12, v18;
	v1 =	vadd.bf16 v1, v9  }
0x187: {  	v4 =	vld.idx.msk [tilespmem:v4+s3+$0x0], $0xffff  }
0x188: {  	v2 =	vld.idx.msk [tilespmem:v2+s3+$0x0], $0xffff;
	v1 =	vadd.bf16 v6, v1  }
0x189: {  	v9 =	vld.idx.msk [tilespmem:v14+s3+$0x0], $0xffff  }
0x18a: {  	v6 =	vld.idx.msk [tilespmem:v20+s3+$0x0], $0xffff;
	v14 =	vunpack.i.l.bf16.f32 v1  }
0x18b: {  	v8 =	vld.idx.msk [tilespmem:v8+s3+$0x0], $0xffff;
	v1 =	vunpack.i.u.bf16.f32 v1;
	[tilespmem:s31+$0xFFFFFFA0] =	vst v14  }
0x18c: {  	v20 =	vadd.s32 v12, v63;
	[tilespmem:s31+$0xFFFFFFB0] =	vst v1  }
0x18d: {  	v1 =	vld.idx.msk [tilespmem:v58+s3+$0x0], $0xffff  }
0x18e: {  	v4 =	vadd.bf16 v4, v7;
	v7 =	vld.idx.msk [tilespmem:v45+s3+$0x0], $0xffff  }
0x18f: {  	v2 =	vadd.bf16 v9, v2;
	v9 =	vld.idx.msk [tilespmem:v41+s3+$0x0], $0xffff  }
0x190: {  	v10 =	vadd.bf16 v15, v10;
	v22 =	vld [tilespmem:$0x1FFA0];
	v6 =	vadd.bf16 v8, v6  }
0x191: {  	v8 =	vld.idx.msk [tilespmem:v20+s3+$0x0], $0xffff  }
0x192: {  	v4 =	vadd.bf16 v4, v10;
	v10 =	vld.idx.msk [tilespmem:v56+s3+$0x0], $0xffff;
	v2 =	vadd.bf16 v6, v2  }
0x193: {  	v14 =	vld.idx.msk [tilespmem:v39+s3+$0x0], $0xffff  }
0x194: {  	v20 =	vld.idx.msk [tilespmem:v16+s3+$0x0], $0xffff;
	v2 =	vadd.bf16 v2, v4  }
0x195: {  	v6 =	vld.idx.msk [tilespmem:v57+s3+$0x0], $0xffff  }
0x196: {  	v15 =	vadd.s32 v13, v27;
	v4 =	vld.idx.msk [tilespmem:v32+s3+$0x0], $0xffff;
	v2 =	vadd.bf16 v8, v2;
	_ =	sdelay $0x1  }
0x197: {  	v8 =	vadd.s32 v13, v26;
	v21 =	vunpack.i.l.bf16.f32 v2  }
0x198: {  	v23 =	vadd.s32 v13, v23;
	v22 =	vld.idx.msk [tilespmem:v22+s3+$0x0], $0xffff;
	v2 =	vunpack.i.u.bf16.f32 v2;
	[tilespmem:s31+$0x40] =	vst v21  }
0x199: {  	v24 =	vadd.s32 v13, v34;
	v1 =	vadd.bf16 v7, v1;
	v6 =	vadd.bf16 v6, v9;
	v21 =	vld [tilespmem:$0x1FFB0];
	[tilespmem:s31+$0x50] =	vst v2  }
0x19a: {  	v7 =	vadd.s32 v13, v55;
	v4 =	vadd.bf16 v4, v10;
	v10 =	vadd.bf16 v20, v14;
	v9 =	vld.idx.msk [tilespmem:v15+s3+$0x0], $0xffff  }
0x19b: {  	v14 =	vadd.s32 v13, v17;
	v15 =	vld.idx.msk [tilespmem:v38+s3+$0x0], $0xffff  }
0x19c: {  	v17 =	vadd.s32 v13, v18;
	v1 =	vadd.bf16 v6, v1;
	v8 =	vld.idx.msk [tilespmem:v8+s3+$0x0], $0xffff;
	v4 =	vadd.bf16 v10, v4  }
0x19d: {  	v16 =	vld.idx.msk [tilespmem:v23+s3+$0x0], $0xffff  }
0x19e: {  	v6 =	vld.idx.msk [tilespmem:v24+s3+$0x0], $0xffff;
	v1 =	vadd.bf16 v4, v1  }
0x19f: {  	v4 =	vld.idx.msk [tilespmem:v7+s3+$0x0], $0xffff  }
0x1a0: {  	v2 =	vadd.s32 v13, v54;
	v7 =	vld.idx.msk [tilespmem:v14+s3+$0x0], $0xffff;
	v1 =	vadd.bf16 v15, v1  }
0x1a1: {  	v10 =	vld.idx.msk [tilespmem:v17+s3+$0x0], $0xffff  }
0x1a2: {  	v14 =	vld.idx.msk [tilespmem:v60+s3+$0x0], $0xffff;
	v15 =	vunpack.i.l.bf16.f32 v1  }
0x1a3: {  	v17 =	vld.idx.msk [tilespmem:v61+s3+$0x0], $0xffff;
	[tilespmem:s31+$0xFFFFFFC0] =	vst v15  }
0x1a4: {  	v15 =	vld [tilespmem:$0x1FFC0]  }
0x1a5: {  	v2 =	vld.idx.msk [tilespmem:v2+s3+$0x0], $0xffff;
	v1 =	vunpack.i.u.bf16.f32 v1  }
0x1a6: {  	v21 =	vld.idx.msk [tilespmem:v21+s3+$0x0], $0xffff;
	[tilespmem:s31+$0xFFFFFFD0] =	vst v1  }
0x1a7: {  	v1 =	vld.idx.msk [tilespmem:v35+s3+$0x0], $0xffff  }
0x1a8: {  	v18 =	vld.idx.msk [tilespmem:v29+s3+$0x0], $0xffff  }
0x1a9: {  	v20 =	vld.idx.msk [tilespmem:v48+s3+$0x0], $0xffff  }
0x1aa: {  	v23 =	vld.idx.msk [tilespmem:v59+s3+$0x0], $0xffff  }
0x1ab: {  	v19 =	vadd.s32 v13, v63;
	v8 =	vadd.bf16 v9, v8;
	v9 =	vld.idx.msk [tilespmem:v44+s3+$0x0], $0xffff  }
0x1ac: {  	v6 =	vadd.bf16 v6, v16;
	v15 =	vld.idx.msk [tilespmem:v15+s3+$0x0], $0xffff  }
0x1ad: {  	v2 =	vadd.bf16 v4, v2;
	v4 =	vadd.bf16 v10, v7;
	v7 =	vld.idx.msk [tilespmem:v37+s3+$0x0], $0xffff  }
0x1ae: {  	v3 =	vadd.bf16 v5, v3;
	v5 =	vadd.bf16 v6, v8;
	v6 =	vld.idx.msk [tilespmem:v47+s3+$0x0], $0xffff  }
0x1af: {  	v8 =	vld.idx.msk [tilespmem:v33+s3+$0x0], $0xffff;
	v2 =	vadd.bf16 v4, v2  }
0x1b0: {  	v10 =	vld.idx.msk [tilespmem:v19+s3+$0x0], $0xffff;
	v4 =	vadd.bf16 v22, v11;
	v14 =	vadd.bf16 v14, v21  }
0x1b1: {  	v2 =	vadd.bf16 v2, v5;
	v15 =	vadd.bf16 v15, v17  }
0x1b2: {  	v3 =	vadd.bf16 v4, v3;
	v1 =	vadd.bf16 v18, v1  }
0x1b3: {  	v5 =	vld.idx.msk [tilespmem:v43+s3+$0x0], $0xffff;
	v7 =	vadd.bf16 v7, v9;
	v4 =	vadd.bf16 v15, v14  }
0x1b4: {  	v6 =	vadd.bf16 v8, v6;
	v14 =	vadd.bf16 v23, v20  }
0x1b5: {  	v2 =	vadd.bf16 v10, v2;
	v3 =	vadd.bf16 v4, v3;
	v4 =	vld.idx.msk [tilespmem:v28+s3+$0x0], $0xffff  }
0x1b6: {  	v8 =	vunpack.i.u.bf16.f32 v0;
	v6 =	vadd.bf16 v6, v7;
	v1 =	vadd.bf16 v14, v1  }
0x1b7: {  	v0 =	vunpack.i.l.bf16.f32 v0;
	[tilespmem:s28+$0xFFFFFFF0] =	vst v8  }
0x1b8: {  	[tilespmem:s28+$0xFFFFFFE0] =	vst v0;
	v0 =	vunpack.i.u.bf16.f32 v2;
	v3 =	vadd.bf16 v5, v3;
	v1 =	vadd.bf16 v6, v1  }
0x1b9: {  	v2 =	vunpack.i.l.bf16.f32 v2;
	[tilespmem:s31+$0x70] =	vst v0  }
0x1ba: {  	[tilespmem:s31+$0x60] =	vst v2;
	v0 =	vunpack.i.u.bf16.f32 v3;
	v1 =	vadd.bf16 v4, v1  }
0x1bb: {  	v2 =	vunpack.i.l.bf16.f32 v3;
	[tilespmem:s29+$0xFFFFFFF0] =	vst v0  }
0x1bc: {  	[tilespmem:s29+$0xFFFFFFE0] =	vst v2;
	v0 =	vunpack.i.u.bf16.f32 v1  }
0x1bd: {  	s0 =	sshll.u32 s0, $0x4;
	v1 =	vunpack.i.l.bf16.f32 v1;
	[tilespmem:s31+$0xFFFFFFF0] =	vst v0  }
0x1be: {  	p1 =	seq.s32 s25, $0xC;
	s0 =	sadd.s32 s2, s0;
	[tilespmem:s31+$0xFFFFFFE0] =	vst v1  }
0x1bf: {  	[hbm4b:s0+s3] =	stream.linear.scatter [tilespmem:s17], [sflag:$0x3], $0x4000, $0x38;
	[tilespmem:$0x16B00] =	vst v63  }
0x1c0: {  	s0 =	smin.u32 @!p1 s26, $0xAB5  }
0x1c1: {  	s0 =	sadd.s32 @!p1 s0, s9  }
0x1c2: {  	s1 =	sshrl.u32 @!p1 s0, $0x3;
	s0 =	sadd.s32 @!p1 s4, s0  }
0x1c3: {  	s14 =	simm.s32 @!p1 $0x16100;
	s0 =	sadd.s32 @!p1 s1, s0;
	s1 =	simm.s32 @!p1 $0x0  }
0x1c4: {  	[tilespmem:s14], [sflag:$0x1] =	stream.linear.gather @!p1 [hbm4b:s0+s1], $0x498, $0x38;
	[tilespmem:$0x16B00] =	vst v63  }
0x1c5: {  	_ =	swait.ge [sflag:s18], $0x498  }
0x1c6: {  	[sflag:s18] =	ssyncset.done $0x0  }
0x1c7: {  	s0 =	simm.s32 @!p0 $0x4;
	[sflag:s18] =	ssyncadd.s32 $0xFFFFFB68  }
0x1c8: {  	_ =	swait.ge @!p0 [sflag:s0], $0x4000  }
0x1c9: {  	[sflag:s0] =	ssyncset.done @!p0 $0x0  }
0x1ca: {  	[sflag:s0] =	ssyncadd.s32 @!p0 $0xFFFFC000  }
0x1cb: {  	v0 =	vld [tilespmem:s30+$0x0]  }
0x1cc: {  	v15 =	vld [tilespmem:$0x1FFF0];
	_ =	sdelay $0x3  }
0x1cd: {  	v9 =	vimm.s32 $0x1;
	v8 =	vimm.s32 $0x0;
	v0 =	vshll.u32 v0, $0x6  }
0x1ce: {  	v7 =	vimm.s32 $0x6;
	v1 =	vimm.s32 $0x0;
	v0 =	vadd.s32 v15, v0  }
0x1cf: {  	v14 =	vlaneseq.u32;
	v2 =	vimm.s32 $0x1;
	v28 =	vperm.xlane v0, v1  }
0x1d0: {  	v3 =	vimm.s32 $0x3;
	v1 =	vld [tilespmem:s30+$0xFFFFFFF7];
	v27 =	vperm.xlane v0, v2;
	v2 =	vimm.s32 $0x2  }
0x1d1: {  	v25 =	vperm.xlane v0, v3;
	v26 =	vperm.xlane v0, v2;
	v2 =	vadd.s32 v14, v28  }
0x1d2: {  	v23 =	vimm.s32 $0x8;
	v4 =	vimm.s32 $0x4;
	v3 =	vadd.s32 v14, v27  }
0x1d3: {  	v6 =	vimm.s32 $0x5;
	v41 =	vperm.xlane v0, v4;
	v5 =	vadd.s32 v14, v25  }
0x1d4: {  	v30 =	vperm.xlane v0, v6;
	v40 =	vperm.xlane v0, v7;
	v4 =	vadd.s32 v14, v26  }
0x1d5: {  	v7 =	vimm.s32 $0x7;
	v6 =	vadd.s32 v14, v41;
	v1 =	vshll.u32 v1, $0x6  }
0x1d6: {  	v19 =	vperm.xlane v0, v7;
	v7 =	vadd.s32 v14, v30;
	v1 =	vadd.s32 v15, v1;
	v2 =	vld.idx.msk [tilespmem:v2+s3+$0x0], $0xffff  }
0x1d7: {  	v23 =	vperm.xlane v0, v23;
	v17 =	vperm.xlane v1, v8;
	v3 =	vld.idx.msk [tilespmem:v3+s3+$0x0], $0xffff;
	v8 =	vadd.s32 v14, v40  }
0x1d8: {  	v31 =	vimm.s32 $0x5;
	v18 =	vperm.xlane v1, v9;
	v9 =	vadd.s32 v14, v19;
	v5 =	vld.idx.msk [tilespmem:v5+s3+$0x0], $0xffff  }
0x1d9: {  	v10 =	vimm.s32 $0x2;
	v63 =	vperm.xlane v1, v31;
	v31 =	vadd.s32 v14, v23;
	v4 =	vld.idx.msk [tilespmem:v4+s3+$0x0], $0xffff  }
0x1da: {  	v20 =	vimm.s32 $0x3;
	v16 =	vperm.xlane v1, v10;
	v6 =	vld.idx.msk [tilespmem:v6+s3+$0x0], $0xffff;
	v10 =	vadd.s32 v14, v17  }
0x1db: {  	v21 =	vimm.s32 $0x4;
	v20 =	vperm.xlane v1, v20;
	v7 =	vld.idx.msk [tilespmem:v7+s3+$0x0], $0xffff;
	v24 =	vadd.s32 v14, v18  }
0x1dc: {  	v22 =	vimm.s32 $0x6;
	v21 =	vperm.xlane v1, v21;
	v29 =	vadd.s32 v14, v16;
	v8 =	vld.idx.msk [tilespmem:v8+s3+$0x0], $0xffff  }
0x1dd: {  	v55 =	vimm.s32 $0x7;
	v22 =	vperm.xlane v1, v22;
	v0 =	vadd.s32 v14, v20;
	v9 =	vld.idx.msk [tilespmem:v9+s3+$0x0], $0xffff  }
0x1de: {  	v42 =	vadd.s32 v14, v21;
	v2 =	vadd.bf16 v3, v2;
	v3 =	vadd.bf16 v5, v4;
	v4 =	vld.idx.msk [tilespmem:v31+s3+$0x0], $0xffff  }
0x1df: {  	v11 =	vperm.xlane v1, v55;
	v45 =	vadd.s32 v14, v22;
	v10 =	vld.idx.msk [tilespmem:v10+s3+$0x0], $0xffff  }
0x1e0: {  	v43 =	vadd.s32 v14, v63;
	v44 =	vld.idx.msk [tilespmem:v24+s3+$0x0], $0xffff  }
0x1e1: {  	v36 =	vadd.s32 v14, v11;
	v29 =	vld.idx.msk [tilespmem:v29+s3+$0x0], $0xffff  }
0x1e2: {  	v0 =	vld.idx.msk [tilespmem:v0+s3+$0x0], $0xffff  }
0x1e3: {  	v60 =	vimm.s32 $0x8;
	v5 =	vadd.bf16 v7, v6;
	v7 =	vld.idx.msk [tilespmem:v42+s3+$0x0], $0xffff;
	v6 =	vadd.bf16 v9, v8  }
0x1e4: {  	v24 =	vmov v22;
	v22 =	vperm.xlane v1, v60;
	v1 =	vld.idx.msk [tilespmem:v45+s3+$0x0], $0xffff  }
0x1e5: {  	v2 =	vadd.bf16 v3, v2;
	v8 =	vld.idx.msk [tilespmem:v43+s3+$0x0], $0xffff;
	v3 =	vadd.bf16 v6, v5  }
0x1e6: {  	v5 =	vld.idx.msk [tilespmem:v36+s3+$0x0], $0xffff  }
0x1e7: {  	v2 =	vadd.bf16 v3, v2;
	v3 =	vadd.s32 v14, v22;
	_ =	sdelay $0x1  }
0x1e8: {  	v9 =	vadd.s32 v62, v27;
	v6 =	vadd.bf16 v44, v10;
	v2 =	vadd.bf16 v4, v2  }
0x1e9: {  	v0 =	vadd.bf16 v0, v29;
	v10 =	vadd.s32 v62, v26;
	v7 =	vadd.bf16 v8, v7  }
0x1ea: {  	s28 =	simm.s32 $0x12180;
	v4 =	vadd.s32 v62, v28;
	v1 =	vadd.bf16 v5, v1;
	v8 =	vunpack.i.l.bf16.f32 v2  }
0x1eb: {  	v2 =	vunpack.i.u.bf16.f32 v2;
	[tilespmem:s28+$0x0] =	vst v8;
	v8 =	vadd.s32 v62, v25;
	v3 =	vld.idx.msk [tilespmem:v3+s3+$0x0], $0xffff  }
0x1ec: {  	v0 =	vadd.bf16 v0, v6;
	v5 =	vadd.s32 v62, v30;
	[tilespmem:s28+$0x10] =	vst v2;
	v1 =	vadd.bf16 v1, v7  }
0x1ed: {  	v2 =	vadd.s32 v62, v41;
	v6 =	vld.idx.msk [tilespmem:v9+s3+$0x0], $0xffff  }
0x1ee: {  	v7 =	vadd.s32 v62, v40;
	v9 =	vld.idx.msk [tilespmem:v10+s3+$0x0], $0xffff;
	v0 =	vadd.bf16 v1, v0  }
0x1ef: {  	v10 =	vadd.s32 v62, v19;
	v4 =	vld.idx.msk [tilespmem:v4+s3+$0x0], $0xffff  }
0x1f0: {  	v1 =	vld.idx.msk [tilespmem:v8+s3+$0x0], $0xffff;
	v8 =	vadd.s32 v62, v17;
	v0 =	vadd.bf16 v3, v0  }
0x1f1: {  	v5 =	vld.idx.msk [tilespmem:v5+s3+$0x0], $0xffff;
	v3 =	vadd.s32 v62, v18  }
0x1f2: {  	v29 =	vadd.s32 v62, v16;
	v2 =	vld.idx.msk [tilespmem:v2+s3+$0x0], $0xffff;
	v31 =	vunpack.i.l.bf16.f32 v0  }
0x1f3: {  	v7 =	vld.idx.msk [tilespmem:v7+s3+$0x0], $0xffff;
	v0 =	vunpack.i.u.bf16.f32 v0;
	[tilespmem:s28+$0xFFFFFF80] =	vst v31;
	v31 =	vadd.s32 v62, v23  }
0x1f4: {  	v46 =	vadd.s32 v62, v20;
	v10 =	vld.idx.msk [tilespmem:v10+s3+$0x0], $0xffff;
	[tilespmem:s28+$0xFFFFFF90] =	vst v0  }
0x1f5: {  	v0 =	vadd.s32 v62, v21;
	v8 =	vld.idx.msk [tilespmem:v8+s3+$0x0], $0xffff;
	[tilespmem:$0x1FD80] =	vst v63  }
0x1f6: {  	v47 =	vadd.s32 v62, v63;
	v3 =	vld.idx.msk [tilespmem:v3+s3+$0x0], $0xffff;
	[tilespmem:$0x1FD90] =	vst v24  }
0x1f7: {  	v48 =	vadd.s32 v62, v24;
	v29 =	vld.idx.msk [tilespmem:v29+s3+$0x0], $0xffff;
	[tilespmem:$0x1FDA0] =	vst v11  }
0x1f8: {  	v4 =	vadd.bf16 v6, v4;
	v6 =	vadd.s32 v62, v11;
	v1 =	vadd.bf16 v1, v9;
	v9 =	vld.idx.msk [tilespmem:v31+s3+$0x0], $0xffff  }
0x1f9: {  	v2 =	vadd.bf16 v5, v2;
	v5 =	vadd.bf16 v10, v7;
	v7 =	vld.idx.msk [tilespmem:v46+s3+$0x0], $0xffff  }
0x1fa: {  	v0 =	vld.idx.msk [tilespmem:v0+s3+$0x0], $0xffff  }
0x1fb: {  	v1 =	vadd.bf16 v1, v4;
	v2 =	vadd.bf16 v5, v2;
	v4 =	vld.idx.msk [tilespmem:v47+s3+$0x0], $0xffff;
	[tilespmem:$0x1FDB0] =	vst v22  }
0x1fc: {  	v10 =	vld.idx.msk [tilespmem:v48+s3+$0x0], $0xffff  }
0x1fd: {  	v5 =	vadd.s32 v62, v22;
	v1 =	vadd.bf16 v2, v1;
	v2 =	vld.idx.msk [tilespmem:v6+s3+$0x0], $0xffff;
	_ =	sdelay $0x1  }
0x1fe: {  	v6 =	vadd.s32 v12, v28;
	v1 =	vadd.bf16 v9, v1  }
0x1ff: {  	v31 =	vadd.s32 v12, v26;
	v3 =	vadd.bf16 v3, v8;
	v9 =	vadd.s32 v12, v27  }
0x200: {  	v7 =	vadd.bf16 v7, v29;
	v0 =	vadd.bf16 v4, v0;
	v8 =	vunpack.i.l.bf16.f32 v1  }
0x201: {  	s14 =	sadd.s32 $0x12, s30;
	v5 =	vld.idx.msk [tilespmem:v5+s3+$0x0], $0xffff;
	v29 =	vadd.s32 v12, v19;
	v1 =	vunpack.i.u.bf16.f32 v1;
	v2 =	vadd.bf16 v2, v10;
	[tilespmem:s28+$0x20] =	vst v8  }
0x202: {  	v4 =	vld [tilespmem:s14+$0x0];
	[tilespmem:s28+$0x30] =	vst v1;
	v1 =	vadd.s32 v12, v41  }
0x203: {  	v10 =	vadd.s32 v12, v30;
	v3 =	vadd.bf16 v7, v3;
	v6 =	vld.idx.msk [tilespmem:v6+s3+$0x0], $0xffff;
	v0 =	vadd.bf16 v2, v0  }
0x204: {  	v8 =	vadd.s32 v12, v25;
	v2 =	vld.idx.msk [tilespmem:v31+s3+$0x0], $0xffff  }
0x205: {  	v7 =	vld.idx.msk [tilespmem:v9+s3+$0x0], $0xffff;
	v9 =	vadd.s32 v12, v40;
	v0 =	vadd.bf16 v0, v3  }
0x206: {  	v29 =	vld.idx.msk [tilespmem:v29+s3+$0x0], $0xffff  }
0x207: {  	v56 =	vimm.s32 $0x2;
	v3 =	vld.idx.msk [tilespmem:v1+s3+$0x0], $0xffff;
	v1 =	vadd.s32 v12, v17;
	v0 =	vadd.bf16 v5, v0  }
0x208: {  	v57 =	vimm.s32 $0x3;
	v54 =	vimm.s32 $0x0;
	v10 =	vld.idx.msk [tilespmem:v10+s3+$0x0], $0xffff;
	v5 =	vadd.s32 v12, v18  }
0x209: {  	v49 =	vadd.s32 v12, v23;
	v50 =	vadd.s32 v12, v16;
	v8 =	vld.idx.msk [tilespmem:v8+s3+$0x0], $0xffff;
	v31 =	vunpack.i.l.bf16.f32 v0  }
0x20a: {  	v58 =	vadd.s32 v12, v21;
	v4 =	vshll.u32 v4, $0x6;
	v9 =	vld.idx.msk [tilespmem:v9+s3+$0x0], $0xffff;
	v0 =	vunpack.i.u.bf16.f32 v0;
	[tilespmem:s28+$0xFFFFFFA0] =	vst v31  }
0x20b: {  	v42 =	vadd.s32 v12, v63;
	v46 =	vimm.s32 $0x1;
	v45 =	vld [tilespmem:s14+$0xFFFFFFF7];
	v47 =	vadd.s32 v15, v4;
	[tilespmem:s28+$0xFFFFFFB0] =	vst v0  }
0x20c: {  	v59 =	vadd.s32 v12, v24;
	v37 =	vperm.xlane v47, v46;
	v31 =	vadd.s32 v12, v20;
	v61 =	vld.idx.msk [tilespmem:v1+s3+$0x0], $0xffff  }
0x20d: {  	v24 =	vimm.s32 $0x5;
	v33 =	vperm.xlane v47, v54;
	v1 =	vld.idx.msk [tilespmem:v5+s3+$0x0], $0xffff;
	v5 =	vadd.bf16 v7, v6  }
0x20e: {  	v2 =	vadd.bf16 v8, v2;
	v7 =	vld.idx.msk [tilespmem:v49+s3+$0x0], $0xffff;
	v6 =	vadd.bf16 v10, v3;
	v10 =	vadd.s32 v14, v37  }
0x20f: {  	v48 =	vimm.s32 $0x4;
	v38 =	vperm.xlane v47, v56;
	v3 =	vld.idx.msk [tilespmem:v50+s3+$0x0], $0xffff;
	v8 =	vadd.bf16 v29, v9  }
0x210: {  	v39 =	vperm.xlane v47, v48;
	v9 =	vadd.s32 v14, v33;
	v2 =	vadd.bf16 v2, v5;
	v5 =	vld.idx.msk [tilespmem:v58+s3+$0x0], $0xffff  }
0x211: {  	v34 =	vperm.xlane v47, v57;
	v29 =	vadd.s32 v14, v38;
	v4 =	vld.idx.msk [tilespmem:v31+s3+$0x0], $0xffff;
	v8 =	vadd.bf16 v8, v6  }
0x212: {  	v44 =	vperm.xlane v47, v24;
	v58 =	vadd.s32 v14, v39;
	v6 =	vld.idx.msk [tilespmem:v42+s3+$0x0], $0xffff  }
0x213: {  	v31 =	vadd.s32 v14, v34;
	v10 =	vld.idx.msk [tilespmem:v10+s3+$0x0], $0xffff;
	v8 =	vadd.bf16 v8, v2  }
0x214: {  	v63 =	vimm.s32 $0x7;
	v26 =	vadd.s32 v13, v26;
	v2 =	vld.idx.msk [tilespmem:v59+s3+$0x0], $0xffff;
	v59 =	vadd.s32 v14, v44  }
0x215: {  	v27 =	vadd.s32 v13, v27;
	v0 =	vimm.s32 $0x6;
	v9 =	vld.idx.msk [tilespmem:v9+s3+$0x0], $0xffff;
	v7 =	vadd.bf16 v7, v8  }
0x216: {  	v43 =	vperm.xlane v47, v0;
	v42 =	vperm.xlane v47, v63;
	v49 =	vld.idx.msk [tilespmem:v29+s3+$0x0], $0xffff;
	v29 =	vshll.u32 v45, $0x6  }
0x217: {  	v52 =	vld.idx.msk [tilespmem:v58+s3+$0x0], $0xffff;
	v8 =	vadd.s32 v13, v28;
	v51 =	vadd.s32 v15, v29;
	v28 =	vunpack.i.l.bf16.f32 v7  }
0x218: {  	v50 =	vld.idx.msk [tilespmem:v31+s3+$0x0], $0xffff;
	v29 =	vperm.xlane v51, v54;
	v7 =	vunpack.i.u.bf16.f32 v7;
	[tilespmem:s28+$0x40] =	vst v28;
	v28 =	vadd.s32 v14, v43  }
0x219: {  	v31 =	vperm.xlane v51, v46;
	[tilespmem:s28+$0x50] =	vst v7;
	v7 =	vadd.s32 v14, v42;
	v54 =	vld.idx.msk [tilespmem:v59+s3+$0x0], $0xffff  }
0x21a: {  	v32 =	vperm.xlane v51, v56;
	v53 =	vadd.s32 v14, v29;
	v46 =	vld.idx.msk [tilespmem:v27+s3+$0x0], $0xffff  }
0x21b: {  	v36 =	vperm.xlane v47, v60;
	v35 =	vperm.xlane v51, v57;
	v55 =	vadd.s32 v14, v31;
	v47 =	vld.idx.msk [tilespmem:v26+s3+$0x0], $0xffff  }
0x21c: {  	v57 =	vadd.s32 v14, v32;
	v45 =	vld.idx.msk [tilespmem:v8+s3+$0x0], $0xffff;
	v8 =	vadd.s32 v13, v25;
	v25 =	vperm.xlane v51, v24  }
0x21d: {  	v56 =	vld.idx.msk [tilespmem:v28+s3+$0x0], $0xffff  }
0x21e: {  	v9 =	vadd.bf16 v10, v9;
	v10 =	vadd.s32 v14, v25;
	v7 =	vld.idx.msk [tilespmem:v7+s3+$0x0], $0xffff  }
0x21f: {  	v58 =	vadd.s32 v14, v36;
	v27 =	vperm.xlane v51, v0;
	v53 =	vld.idx.msk [tilespmem:v53+s3+$0x0], $0xffff  }
0x220: {  	v59 =	vadd.s32 v14, v35;
	v0 =	vperm.xlane v51, v63;
	v55 =	vld.idx.msk [tilespmem:v55+s3+$0x0], $0xffff  }
0x221: {  	v49 =	vadd.bf16 v50, v49;
	v50 =	vadd.s32 v14, v27;
	v28 =	vperm.xlane v51, v48;
	v57 =	vld.idx.msk [tilespmem:v57+s3+$0x0], $0xffff  }
0x222: {  	v52 =	vadd.bf16 v54, v52;
	v54 =	vadd.s32 v14, v0;
	v48 =	vld.idx.msk [tilespmem:v8+s3+$0x0], $0xffff;
	[tilespmem:$0x1FD70] =	vst v0  }
0x223: {  	v8 =	vadd.s32 v14, v28;
	v10 =	vld.idx.msk [tilespmem:v10+s3+$0x0], $0xffff  }
0x224: {  	v7 =	vadd.bf16 v7, v56;
	v56 =	vld.idx.msk [tilespmem:v58+s3+$0x0], $0xffff  }
0x225: {  	v41 =	vadd.s32 v13, v41;
	v58 =	vld.idx.msk [tilespmem:v59+s3+$0x0], $0xffff  }
0x226: {  	v40 =	vadd.s32 v13, v40;
	v9 =	vadd.bf16 v49, v9;
	v59 =	vld.idx.msk [tilespmem:v50+s3+$0x0], $0xffff;
	v7 =	vadd.bf16 v7, v52  }
0x227: {  	v63 =	vadd.s32 v13, v30;
	v30 =	vperm.xlane v51, v60;
	v54 =	vld.idx.msk [tilespmem:v54+s3+$0x0], $0xffff  }
0x228: {  	v8 =	vld.idx.msk [tilespmem:v8+s3+$0x0], $0xffff;
	v7 =	vadd.bf16 v7, v9  }
0x229: {  	v9 =	vadd.s32 v14, v30  }
0x22a: {  	v50 =	vld.idx.msk [tilespmem:v41+s3+$0x0], $0xffff;
	v41 =	vadd.s32 v62, v37;
	v7 =	vadd.bf16 v56, v7  }
0x22b: {  	v60 =	vadd.s32 v62, v38;
	v52 =	vld.idx.msk [tilespmem:v40+s3+$0x0], $0xffff;
	v40 =	vadd.bf16 v55, v53;
	v55 =	vadd.s32 v62, v44  }
0x22c: {  	s29 =	simm.s32 $0x12280;
	v51 =	vld.idx.msk [tilespmem:v63+s3+$0x0], $0xffff;
	v63 =	vadd.bf16 v58, v57;
	v56 =	vadd.s32 v62, v33;
	v49 =	vunpack.i.l.bf16.f32 v7  }
0x22d: {  	v8 =	vadd.bf16 v10, v8;
	v10 =	vadd.bf16 v54, v59;
	v7 =	vunpack.i.u.bf16.f32 v7;
	[tilespmem:s29+$0x0] =	vst v49  }
0x22e: {  	v40 =	vadd.bf16 v63, v40;
	v63 =	vadd.s32 v62, v42;
	v9 =	vld.idx.msk [tilespmem:v9+s3+$0x0], $0xffff;
	[tilespmem:s29+$0x10] =	vst v7  }
0x22f: {  	v49 =	vadd.s32 v62, v34;
	v41 =	vld.idx.msk [tilespmem:v41+s3+$0x0], $0xffff  }
0x230: {  	v7 =	vadd.s32 v62, v39;
	v8 =	vadd.bf16 v10, v8;
	v10 =	vld.idx.msk [tilespmem:v60+s3+$0x0], $0xffff  }
0x231: {  	v54 =	vld.idx.msk [tilespmem:v56+s3+$0x0], $0xffff;
	v56 =	vadd.s32 v62, v43  }
0x232: {  	v19 =	vadd.s32 v13, v19;
	v55 =	vld.idx.msk [tilespmem:v55+s3+$0x0], $0xffff  }
0x233: {  	v23 =	vadd.s32 v13, v23;
	v8 =	vadd.bf16 v8, v40;
	v53 =	vld.idx.msk [tilespmem:v63+s3+$0x0], $0xffff  }
0x234: {  	v57 =	vadd.s32 v12, v11;
	v49 =	vld.idx.msk [tilespmem:v49+s3+$0x0], $0xffff  }
0x235: {  	v58 =	vadd.s32 v12, v22;
	v40 =	vld.idx.msk [tilespmem:v7+s3+$0x0], $0xffff;
	v8 =	vadd.bf16 v9, v8  }
0x236: {  	v59 =	vadd.s32 v62, v36;
	v9 =	vld.idx.msk [tilespmem:v56+s3+$0x0], $0xffff  }
0x237: {  	v60 =	vadd.s32 v62, v31;
	v7 =	vld.idx.msk [tilespmem:v19+s3+$0x0], $0xffff;
	v19 =	vunpack.i.l.bf16.f32 v8  }
0x238: {  	v56 =	vadd.s32 v62, v29;
	[tilespmem:s29+$0xFFFFFF80] =	vst v19;
	v19 =	vld.idx.msk [tilespmem:v23+s3+$0x0], $0xffff  }
0x239: {  	v8 =	vunpack.i.u.bf16.f32 v8;
	v41 =	vadd.bf16 v41, v54;
	v54 =	vadd.s32 v62, v35;
	v23 =	vld.idx.msk [tilespmem:v57+s3+$0x0], $0xffff  }
0x23a: {  	[tilespmem:s29+$0xFFFFFF90] =	vst v8;
	v57 =	vld.idx.msk [tilespmem:v58+s3+$0x0], $0xffff;
	v58 =	vadd.s32 v62, v27;
	v10 =	vadd.bf16 v49, v10  }
0x23b: {  	v49 =	vadd.s32 v62, v28;
	v40 =	vadd.bf16 v55, v40;
	v55 =	vld.idx.msk [tilespmem:v59+s3+$0x0], $0xffff;
	v9 =	vadd.bf16 v53, v9  }
0x23c: {  	v59 =	vld.idx.msk [tilespmem:v60+s3+$0x0], $0xffff;
	v60 =	vadd.s32 v62, v0  }
0x23d: {  	v56 =	vld.idx.msk [tilespmem:v56+s3+$0x0], $0xffff;
	v53 =	vadd.s32 v62, v25;
	v10 =	vadd.bf16 v10, v41;
	v9 =	vadd.bf16 v9, v40  }
0x23e: {  	v3 =	vadd.bf16 v4, v3;
	v5 =	vadd.bf16 v6, v5;
	v8 =	vadd.s32 v62, v32;
	v54 =	vld.idx.msk [tilespmem:v54+s3+$0x0], $0xffff  }
0x23f: {  	v0 =	vadd.bf16 v1, v61;
	v6 =	vld.idx.msk [tilespmem:v58+s3+$0x0], $0xffff;
	v9 =	vadd.bf16 v9, v10  }
0x240: {  	v1 =	vld.idx.msk [tilespmem:v49+s3+$0x0], $0xffff  }
0x241: {  	v63 =	vadd.s32 v62, v30;
	v0 =	vadd.bf16 v3, v0;
	v3 =	vld.idx.msk [tilespmem:v60+s3+$0x0], $0xffff;
	v9 =	vadd.bf16 v55, v9  }
0x242: {  	v2 =	vadd.bf16 v23, v2;
	v4 =	vld.idx.msk [tilespmem:v53+s3+$0x0], $0xffff  }
0x243: {  	v8 =	vld.idx.msk [tilespmem:v8+s3+$0x0], $0xffff;
	v10 =	vadd.s32 v12, v33;
	v58 =	vunpack.i.l.bf16.f32 v9;
	v9 =	vunpack.i.u.bf16.f32 v9  }
0x244: {  	v2 =	vadd.bf16 v2, v5;
	[tilespmem:s29+$0x30] =	vst v9;
	v9 =	vadd.s32 v12, v39  }
0x245: {  	v23 =	vadd.s32 v12, v37  }
0x246: {  	s14 =	sadd.s32 $0x12, s14;
	v49 =	vadd.s32 v12, v38;
	v5 =	vld.idx.msk [tilespmem:v63+s3+$0x0], $0xffff;
	v0 =	vadd.bf16 v2, v0  }
0x247: {  	v61 =	vld [tilespmem:s14+$0x0];
	v60 =	vadd.s32 v12, v34;
	v3 =	vadd.bf16 v3, v6;
	[tilespmem:s29+$0x20] =	vst v58;
	v1 =	vadd.bf16 v4, v1  }
0x248: {  	v63 =	vadd.bf16 v59, v56;
	v8 =	vadd.bf16 v54, v8;
	v58 =	vadd.s32 v12, v43;
	v2 =	vld.idx.msk [tilespmem:v10+s3+$0x0], $0xffff  }
0x249: {  	v0 =	vadd.bf16 v57, v0;
	v1 =	vadd.bf16 v3, v1;
	v3 =	vld.idx.msk [tilespmem:v9+s3+$0x0], $0xffff;
	v9 =	vadd.s32 v13, v16  }
0x24a: {  	v10 =	vadd.s32 v12, v44;
	v23 =	vld.idx.msk [tilespmem:v23+s3+$0x0], $0xffff  }
0x24b: {  	v6 =	vadd.s32 v12, v42;
	v8 =	vadd.bf16 v8, v63;
	v4 =	vld.idx.msk [tilespmem:v49+s3+$0x0], $0xffff;
	v16 =	vunpack.i.l.bf16.f32 v0  }
0x24c: {  	v40 =	vld.idx.msk [tilespmem:v60+s3+$0x0], $0xffff;
	v0 =	vunpack.i.u.bf16.f32 v0;
	[tilespmem:s28+$0xFFFFFFC0] =	vst v16  }
0x24d: {  	v17 =	vadd.s32 v13, v17;
	v1 =	vadd.bf16 v1, v8;
	v8 =	vld.idx.msk [tilespmem:v58+s3+$0x0], $0xffff;
	[tilespmem:s28+$0xFFFFFFD0] =	vst v0  }
0x24e: {  	v18 =	vadd.s32 v13, v18;
	v9 =	vld.idx.msk [tilespmem:v9+s3+$0x0], $0xffff  }
0x24f: {  	v10 =	vld.idx.msk [tilespmem:v10+s3+$0x0], $0xffff  }
0x250: {  	v0 =	vld.idx.msk [tilespmem:v6+s3+$0x0], $0xffff  }
0x251: {  	v1 =	vadd.bf16 v5, v1;
	v5 =	vadd.s32 v12, v36  }
0x252: {  	v20 =	vadd.s32 v13, v20;
	v58 =	vimm.s32 $0x0;
	v6 =	vadd.s32 v13, v21;
	v54 =	vld.idx.msk [tilespmem:v17+s3+$0x0], $0xffff  }
0x253: {  	v16 =	vadd.s32 v12, v29;
	v56 =	vld.idx.msk [tilespmem:v18+s3+$0x0], $0xffff;
	[tilespmem:$0x1FDE0] =	vst v9;
	v9 =	vunpack.i.u.bf16.f32 v1;
	v1 =	vunpack.i.l.bf16.f32 v1  }
0x254: {  	v2 =	vadd.bf16 v23, v2;
	v4 =	vadd.bf16 v40, v4;
	[tilespmem:s29+$0xFFFFFFA0] =	vst v1;
	v1 =	vshll.u32 v61, $0x6  }
0x255: {  	v0 =	vadd.bf16 v0, v8;
	v53 =	vadd.s32 v15, v1;
	v1 =	vadd.bf16 v10, v3  }
0x256: {  	v18 =	vadd.s32 v12, v35;
	v5 =	vld.idx.msk [tilespmem:v5+s3+$0x0], $0xffff;
	v41 =	vperm.xlane v53, v58  }
0x257: {  	v2 =	vadd.bf16 v4, v2;
	v3 =	vadd.s32 v12, v28;
	v0 =	vadd.bf16 v0, v1  }
0x258: {  	v17 =	vadd.s32 v12, v31;
	v49 =	vld.idx.msk [tilespmem:v20+s3+$0x0], $0xffff;
	v61 =	vimm.s32 $0x1;
	v1 =	vadd.s32 v14, v41  }
0x259: {  	[tilespmem:s29+$0xFFFFFFB0] =	vst v9;
	v40 =	vld.idx.msk [tilespmem:v6+s3+$0x0], $0xffff;
	v26 =	vperm.xlane v53, v61;
	v0 =	vadd.bf16 v0, v2  }
0x25a: {  	v55 =	vadd.s32 v12, v32;
	v60 =	vimm.s32 $0x2;
	v6 =	vimm.s32 $0x5;
	v10 =	vld.idx.msk [tilespmem:v16+s3+$0x0], $0xffff  }
0x25b: {  	v21 =	vld.idx.msk [tilespmem:v18+s3+$0x0], $0xffff;
	v63 =	vperm.xlane v53, v6;
	v4 =	vadd.s32 v14, v26;
	v0 =	vadd.bf16 v5, v0  }
0x25c: {  	v11 =	vimm.s32 $0x3;
	v18 =	vadd.bf16 v51, v50;
	v23 =	vperm.xlane v53, v60;
	v24 =	vld.idx.msk [tilespmem:v3+s3+$0x0], $0xffff  }
0x25d: {  	v51 =	vadd.s32 v14, v63;
	v3 =	vadd.s32 v13, v37;
	v37 =	vld.idx.msk [tilespmem:v1+s3+$0x0], $0xffff;
	v1 =	vunpack.i.l.bf16.f32 v0  }
0x25e: {  	v7 =	vadd.bf16 v7, v52;
	v8 =	vimm.s32 $0x4;
	v9 =	vld.idx.msk [tilespmem:v17+s3+$0x0], $0xffff;
	[tilespmem:s29+$0x40] =	vst v1;
	v1 =	vadd.s32 v13, v34  }
0x25f: {  	v20 =	vimm.s32 $0x7;
	v22 =	vld.idx.msk [tilespmem:v55+s3+$0x0], $0xffff;
	v16 =	vadd.s32 v13, v38;
	v2 =	vadd.s32 v14, v23  }
0x260: {  	v17 =	vadd.bf16 v48, v47;
	v38 =	vld.idx.msk [tilespmem:v4+s3+$0x0], $0xffff;
	v0 =	vunpack.i.u.bf16.f32 v0;
	v4 =	vadd.bf16 v46, v45  }
0x261: {  	v57 =	vld [tilespmem:s14+$0xFFFFFFF7];
	v55 =	vperm.xlane v53, v8;
	[tilespmem:s29+$0x50] =	vst v0;
	v0 =	vadd.s32 v13, v39;
	v34 =	vperm.xlane v53, v11  }
0x262: {  	v5 =	vadd.s32 v13, v33;
	v33 =	vimm.s32 $0x6;
	v51 =	vld.idx.msk [tilespmem:v51+s3+$0x0], $0xffff;
	v4 =	vadd.bf16 v17, v4  }
0x263: {  	v17 =	vperm.xlane v53, v33;
	v45 =	vadd.s32 v14, v34;
	v48 =	vld.idx.msk [tilespmem:v1+s3+$0x0], $0xffff;
	v1 =	vadd.bf16 v7, v18  }
0x264: {  	v2 =	vld.idx.msk [tilespmem:v2+s3+$0x0], $0xffff;
	v7 =	vadd.s32 v14, v55;
	v18 =	vperm.xlane v53, v20  }
0x265: {  	v3 =	vld.idx.msk [tilespmem:v3+s3+$0x0], $0xffff;
	v1 =	vadd.bf16 v1, v4;
	v4 =	vadd.s32 v14, v17  }
0x266: {  	v50 =	vld.idx.msk [tilespmem:v0+s3+$0x0], $0xffff;
	v0 =	vshll.u32 v57, $0x6;
	v57 =	vadd.s32 v14, v18  }
0x267: {  	v5 =	vld.idx.msk [tilespmem:v5+s3+$0x0], $0xffff  }
0x268: {  	v45 =	vld.idx.msk [tilespmem:v45+s3+$0x0], $0xffff  }
0x269: {  	v59 =	vadd.s32 v13, v44;
	v7 =	vld.idx.msk [tilespmem:v7+s3+$0x0], $0xffff  }
0x26a: {  	v52 =	vadd.s32 v15, v0;
	v15 =	vld.idx.msk [tilespmem:v4+s3+$0x0], $0xffff  }
0x26b: {  	v43 =	vadd.s32 v13, v43;
	v57 =	vld.idx.msk [tilespmem:v57+s3+$0x0], $0xffff  }
0x26c: {  	v42 =	vadd.s32 v13, v42;
	v44 =	vld.idx.msk [tilespmem:v16+s3+$0x0], $0xffff  }
0x26d: {  	v36 =	vadd.s32 v13, v36;
	v54 =	vadd.bf16 v56, v54;
	v37 =	vadd.bf16 v38, v37  }
0x26e: {  	v39 =	vld.idx.msk [tilespmem:v59+s3+$0x0], $0xffff;
	v46 =	vperm.xlane v52, v58;
	v47 =	vperm.xlane v52, v60;
	v59 =	vadd.bf16 v19, v1  }
0x26f: {  	v1 =	vperm.xlane v52, v61;
	v61 =	vadd.bf16 v3, v5;
	v45 =	vadd.bf16 v45, v2  }
0x270: {  	v43 =	vld.idx.msk [tilespmem:v43+s3+$0x0], $0xffff;
	v5 =	vperm.xlane v52, v33;
	v7 =	vadd.bf16 v51, v7;
	v33 =	vadd.bf16 v57, v15  }
0x271: {  	v42 =	vld.idx.msk [tilespmem:v42+s3+$0x0], $0xffff;
	v0 =	vperm.xlane v52, v11;
	v56 =	vadd.s32 v14, v46;
	v44 =	vadd.bf16 v48, v44  }
0x272: {  	v48 =	vadd.s32 v14, v47;
	v37 =	vadd.bf16 v45, v37;
	v7 =	vadd.bf16 v33, v7  }
0x273: {  	v39 =	vadd.bf16 v39, v50;
	v50 =	vadd.s32 v14, v0  }
0x274: {  	v19 =	vimm.s32 $0x8;
	v37 =	vadd.bf16 v7, v37;
	v7 =	vld [tilespmem:$0x1FD80]  }
0x275: {  	v36 =	vld.idx.msk [tilespmem:v36+s3+$0x0], $0xffff;
	v11 =	vperm.xlane v53, v19;
	v60 =	vadd.s32 v14, v1  }
0x276: {  	v42 =	vadd.bf16 v42, v43;
	v4 =	vperm.xlane v52, v8;
	v38 =	vld.idx.msk [tilespmem:v56+s3+$0x0], $0xffff  }
0x277: {  	v53 =	vadd.s32 v14, v11;
	v48 =	vld.idx.msk [tilespmem:v48+s3+$0x0], $0xffff  }
0x278: {  	v3 =	vperm.xlane v52, v6;
	v39 =	vadd.bf16 v42, v39;
	v42 =	vadd.s32 v14, v4;
	v50 =	vld.idx.msk [tilespmem:v50+s3+$0x0], $0xffff  }
0x279: {  	v6 =	vperm.xlane v52, v19;
	v2 =	vperm.xlane v52, v20;
	v52 =	vadd.s32 v13, v7;
	v7 =	vld [tilespmem:$0x1FD90]  }
0x27a: {  	v56 =	vld.idx.msk [tilespmem:v60+s3+$0x0], $0xffff;
	v57 =	vadd.s32 v14, v3  }
0x27b: {  	v58 =	vadd.s32 v12, v25;
	v15 =	vld [tilespmem:$0x1FD70]  }
0x27c: {  	v16 =	vadd.s32 v12, v27;
	v33 =	vld.idx.msk [tilespmem:v53+s3+$0x0], $0xffff  }
0x27d: {  	v60 =	vadd.s32 v14, v5;
	v42 =	vld.idx.msk [tilespmem:v42+s3+$0x0], $0xffff  }
0x27e: {  	v20 =	vadd.s32 v13, v7;
	v7 =	vld [tilespmem:$0x1FDA0]  }
0x27f: {  	v44 =	vadd.bf16 v44, v61;
	v8 =	vadd.bf16 v9, v10;
	v45 =	vadd.s32 v14, v2;
	v53 =	vld.idx.msk [tilespmem:v57+s3+$0x0], $0xffff  }
0x280: {  	v43 =	vld.idx.msk [tilespmem:v58+s3+$0x0], $0xffff;
	v9 =	vadd.bf16 v21, v22;
	v61 =	vadd.s32 v13, v29;
	v10 =	vadd.s32 v12, v15  }
0x281: {  	v58 =	vld.idx.msk [tilespmem:v16+s3+$0x0], $0xffff;
	v39 =	vadd.bf16 v39, v44;
	v44 =	vadd.s32 v14, v6;
	v14 =	vadd.s32 v13, v32  }
0x282: {  	v22 =	vld.idx.msk [tilespmem:v60+s3+$0x0], $0xffff;
	v60 =	vadd.s32 v13, v35;
	v35 =	vadd.s32 v62, v41;
	v32 =	vadd.bf16 v33, v37  }
0x283: {  	v48 =	vadd.bf16 v50, v48;
	v38 =	vadd.bf16 v56, v38;
	[tilespmem:$0x1FDF0] =	vst v14;
	v56 =	vadd.s32 v13, v7;
	v7 =	vld [tilespmem:$0x1FDB0]  }
0x284: {  	s30 =	simm.s32 $0x12380;
	v50 =	vadd.s32 v12, v30;
	v29 =	vld.idx.msk [tilespmem:v45+s3+$0x0], $0xffff;
	v42 =	vadd.bf16 v53, v42;
	v53 =	vunpack.i.l.bf16.f32 v32  }
0x285: {  	v16 =	vadd.s32 v13, v28;
	v10 =	vld.idx.msk [tilespmem:v10+s3+$0x0], $0xffff;
	v32 =	vunpack.i.u.bf16.f32 v32;
	[tilespmem:s30+$0x0] =	vst v53  }
0x286: {  	v37 =	vadd.bf16 v43, v24;
	v43 =	vadd.s32 v62, v26;
	v28 =	vld.idx.msk [tilespmem:v52+s3+$0x0], $0xffff;
	[tilespmem:s30+$0x10] =	vst v32  }
0x287: {  	v8 =	vadd.bf16 v9, v8;
	v38 =	vadd.bf16 v48, v38;
	v9 =	vld.idx.msk [tilespmem:v35+s3+$0x0], $0xffff  }
0x288: {  	v48 =	vadd.s32 v62, v23;
	v57 =	vadd.s32 v13, v7;
	v7 =	vadd.s32 v13, v31;
	v31 =	vld.idx.msk [tilespmem:v44+s3+$0x0], $0xffff  }
0x289: {  	v14 =	vadd.s32 v13, v25;
	v45 =	vadd.s32 v62, v34;
	v44 =	vld.idx.msk [tilespmem:v50+s3+$0x0], $0xffff  }
0x28a: {  	v32 =	vadd.s32 v62, v55;
	v50 =	vld.idx.msk [tilespmem:v20+s3+$0x0], $0xffff;
	[tilespmem:$0x1FDC0] =	vst v14  }
0x28b: {  	v22 =	vadd.bf16 v29, v22;
	v53 =	vadd.s32 v62, v18;
	v14 =	vadd.s32 v13, v27;
	v43 =	vld.idx.msk [tilespmem:v43+s3+$0x0], $0xffff  }
0x28c: {  	[tilespmem:$0x1FDD0] =	vst v14;
	v14 =	vld [tilespmem:$0x1FDE0]  }
0x28d: {  	v42 =	vadd.bf16 v22, v42;
	v35 =	vadd.s32 v62, v63;
	v48 =	vld.idx.msk [tilespmem:v48+s3+$0x0], $0xffff  }
0x28e: {  	v52 =	vadd.s32 v62, v17;
	v10 =	vadd.bf16 v10, v58;
	v58 =	vadd.s32 v13, v30;
	v30 =	vld.idx.msk [tilespmem:v45+s3+$0x0], $0xffff  }
0x28f: {  	v27 =	vadd.bf16 v42, v38;
	v32 =	vld.idx.msk [tilespmem:v32+s3+$0x0], $0xffff  }
0x290: {  	v24 =	vadd.bf16 v36, v39;
	v10 =	vadd.bf16 v10, v37;
	v36 =	vld.idx.msk [tilespmem:v53+s3+$0x0], $0xffff  }
0x291: {  	v19 =	vadd.s32 v12, v47;
	v45 =	vadd.s32 v62, v46;
	v33 =	vld.idx.msk [tilespmem:v56+s3+$0x0], $0xffff;
	v27 =	vadd.bf16 v31, v27  }
0x292: {  	v51 =	vunpack.i.l.bf16.f32 v59;
	v8 =	vadd.bf16 v10, v8;
	v42 =	vadd.s32 v62, v1;
	v31 =	vld.idx.msk [tilespmem:v35+s3+$0x0], $0xffff  }
0x293: {  	v25 =	vadd.s32 v62, v4;
	v35 =	vld.idx.msk [tilespmem:v52+s3+$0x0], $0xffff;
	v10 =	vunpack.i.l.bf16.f32 v27;
	v27 =	vunpack.i.u.bf16.f32 v27  }
0x294: {  	v29 =	vunpack.i.u.bf16.f32 v59;
	[tilespmem:s30+$0xFFFFFF90] =	vst v27;
	v27 =	vadd.bf16 v44, v8;
	v8 =	vadd.s32 v62, v11  }
0x295: {  	v59 =	vadd.s32 v13, v15;
	v28 =	vadd.bf16 v28, v40;
	v20 =	vadd.bf16 v49, v14;
	[tilespmem:s30+$0xFFFFFF80] =	vst v10  }
0x296: {  	v15 =	vadd.s32 v62, v0;
	v9 =	vadd.bf16 v43, v9;
	v30 =	vadd.bf16 v30, v48;
	v14 =	vld.idx.msk [tilespmem:v45+s3+$0x0], $0xffff  }
0x297: {  	v49 =	vadd.s32 v62, v47;
	v50 =	vadd.bf16 v33, v50;
	v20 =	vadd.bf16 v20, v54;
	v48 =	vld.idx.msk [tilespmem:v42+s3+$0x0], $0xffff  }
0x298: {  	[tilespmem:s28+$0x70] =	vst v29;
	v43 =	vadd.s32 v12, v0;
	v29 =	vadd.bf16 v31, v32;
	v31 =	vadd.bf16 v36, v35  }
0x299: {  	v10 =	vadd.s32 v62, v5;
	v44 =	vadd.s32 v12, v1;
	v54 =	vadd.s32 v12, v4;
	v42 =	vld.idx.msk [tilespmem:v8+s3+$0x0], $0xffff  }
0x29a: {  	v45 =	vadd.s32 v12, v46;
	v9 =	vadd.bf16 v30, v9;
	v30 =	vadd.bf16 v31, v29  }
0x29b: {  	v31 =	vadd.bf16 v50, v28;
	v29 =	vadd.s32 v13, v46;
	v28 =	vadd.s32 v13, v1  }
0x29c: {  	[tilespmem:s28+$0x60] =	vst v51;
	v8 =	vadd.bf16 v48, v14;
	v1 =	vadd.bf16 v30, v9;
	v9 =	vunpack.i.u.bf16.f32 v24  }
0x29d: {  	v48 =	vadd.s32 v13, v47;
	v47 =	vadd.s32 v13, v0;
	v0 =	vunpack.i.u.bf16.f32 v27;
	[tilespmem:s29+$0x70] =	vst v9  }
0x29e: {  	v21 =	vld.idx.msk [tilespmem:v57+s3+$0x0], $0xffff;
	v46 =	vadd.s32 v13, v4;
	v9 =	vunpack.i.l.bf16.f32 v27;
	[tilespmem:s29+$0xFFFFFFD0] =	vst v0;
	v4 =	vadd.bf16 v42, v1  }
0x29f: {  	v57 =	vld.idx.msk [tilespmem:v25+s3+$0x0], $0xffff;
	v0 =	vunpack.i.l.bf16.f32 v24;
	[tilespmem:s29+$0xFFFFFFC0] =	vst v9  }
0x2a0: {  	v40 =	vadd.s32 v62, v2;
	v52 =	vadd.s32 v62, v3;
	v9 =	vld.idx.msk [tilespmem:v10+s3+$0x0], $0xffff;
	[tilespmem:s29+$0x60] =	vst v0;
	v10 =	vunpack.i.l.bf16.f32 v4  }
0x2a1: {  	v56 =	vadd.s32 v12, v2;
	v32 =	vadd.s32 v13, v2;
	v2 =	vld.idx.msk [tilespmem:v7+s3+$0x0], $0xffff;
	[tilespmem:s30+$0x20] =	vst v10  }
0x2a2: {  	v53 =	vadd.s32 v62, v6;
	v7 =	vld [tilespmem:$0x1FDF0]  }
0x2a3: {  	v22 =	vld.idx.msk [tilespmem:v49+s3+$0x0], $0xffff  }
0x2a4: {  	v14 =	vld.idx.msk [tilespmem:v15+s3+$0x0], $0xffff  }
0x2a5: {  	v39 =	vadd.s32 v12, v5;
	v15 =	vld.idx.msk [tilespmem:v52+s3+$0x0], $0xffff  }
0x2a6: {  	v37 =	vadd.s32 v13, v3;
	v38 =	vadd.s32 v12, v6;
	v51 =	vadd.s32 v12, v23  }
0x2a7: {  	v33 =	vadd.s32 v12, v3;
	v35 =	vadd.s32 v13, v5;
	v5 =	vld.idx.msk [tilespmem:v53+s3+$0x0], $0xffff;
	v20 =	vadd.bf16 v31, v20  }
0x2a8: {  	s31 =	sor.u32 $0x80, s26;
	v25 =	vmov v41;
	v49 =	vld.idx.msk [tilespmem:v40+s3+$0x0], $0xffff;
	v50 =	vadd.s32 v12, v41;
	v30 =	vadd.s32 v13, v6  }
0x2a9: {  	s0 =	smin.u32 s31, $0xBB5;
	v6 =	vadd.s32 v12, v26;
	v0 =	vadd.bf16 v21, v20;
	v3 =	vld.idx.msk [tilespmem:v61+s3+$0x0], $0xffff;
	v52 =	vadd.bf16 v14, v22  }
0x2aa: {  	s1 =	simm.s32 $0x4;
	s0 =	sadd.s32 s6, s0;
	s14 =	sadd.s32 $0x12, s14;
	v36 =	vmovc v17;
	v1 =	vadd.bf16 v15, v57;
	v53 =	vunpack.i.u.bf16.f32 v4;
	v4 =	vadd.s32 v12, v34;
	v31 =	vld.idx.msk [tilespmem:v7+s3+$0x0], $0xffff  }
.LBB2_5:
0x2ab: {  	_ =	sdelay $0x1  }
0x2ac: {  	v7 =	vld [tilespmem:s14+$0x0];
	v8 =	vadd.bf16 v52, v8;
	[tilespmem:s30+$0x30] =	vst v53;
	v9 =	vadd.bf16 v49, v9;
	v57 =	vadd.s32 v12, v63  }
0x2ad: {  	[tilespmem:$0x1FC60] =	vst v59;
	v10 =	vadd.s32 v12, v55;
	v41 =	vunpack.i.u.bf16.f32 v0;
	v0 =	vunpack.i.l.bf16.f32 v0;
	v42 =	vld.idx.msk [tilespmem:v50+s3+$0x0], $0xffff  }
0x2ae: {  	v59 =	vadd.s32 v12, v36;
	v6 =	vld.idx.msk [tilespmem:v6+s3+$0x0], $0xffff;
	[tilespmem:s28+$0xFFFFFFE0] =	vst v0;
	v0 =	vadd.bf16 v9, v1  }
0x2af: {  	v4 =	vld.idx.msk [tilespmem:v4+s3+$0x0], $0xffff  }
0x2b0: {  	v1 =	vld.idx.msk [tilespmem:v51+s3+$0x0], $0xffff;
	v9 =	vadd.s32 v12, v18;
	v2 =	vadd.bf16 v2, v3;
	v0 =	vadd.bf16 v0, v8  }
0x2b1: {  	v3 =	vld.idx.msk [tilespmem:v57+s3+$0x0], $0xffff  }
0x2b2: {  	[tilespmem:$0x1FC30] =	vst v2;
	v2 =	vld.idx.msk [tilespmem:v10+s3+$0x0], $0xffff;
	v0 =	vadd.bf16 v5, v0  }
0x2b3: {  	[tilespmem:s28+$0xFFFFFFF0] =	vst v41;
	v5 =	vld.idx.msk [tilespmem:v59+s3+$0x0], $0xffff  }
0x2b4: {  	v10 =	vld [tilespmem:s14+$0xFFFFFFF7];
	v8 =	vunpack.i.u.bf16.f32 v0;
	v0 =	vunpack.i.l.bf16.f32 v0  }
0x2b5: {  	v9 =	vld.idx.msk [tilespmem:v9+s3+$0x0], $0xffff;
	[tilespmem:s30+$0xFFFFFFA0] =	vst v0  }
0x2b6: {  	v0 =	vld.idx.msk [tilespmem:v60+s3+$0x0], $0xffff;
	_ =	sdelay $0x2  }
0x2b7: {  	[tilespmem:$0x1FC80] =	vst v32;
	v21 =	vld [tilespmem:$0x1FFF0]  }
0x2b8: {  	v6 =	vadd.bf16 v6, v42;
	v1 =	vadd.bf16 v4, v1;
	[tilespmem:s30+$0xFFFFFFB0] =	vst v8  }
0x2b9: {  	v2 =	vadd.bf16 v3, v2;
	v9 =	vadd.bf16 v9, v5;
	[tilespmem:$0x1FC00] =	vst v0;
	v0 =	vmov v47  }
0x2ba: {  	v61 =	vadd.s32 v12, v11;
	[tilespmem:$0x1FC90] =	vst v0;
	v0 =	vshll.u32 v7, $0x6;
	v7 =	vld.idx.msk [tilespmem:v16+s3+$0x0], $0xffff  }
0x2bb: {  	[tilespmem:$0x1FC50] =	vst v37;
	v1 =	vadd.bf16 v1, v6;
	v6 =	vadd.bf16 v9, v2;
	v2 =	vshll.u32 v10, $0x6  }
0x2bc: {  	[tilespmem:$0x1FD40] =	vst v29;
	v14 =	vmov v48;
	v15 =	vimm.s32 $0x2;
	v8 =	vld.idx.msk [tilespmem:v44+s3+$0x0], $0xffff;
	v37 =	vadd.s32 v21, v2  }
0x2bd: {  	[tilespmem:$0x1FD60] =	vst v14;
	v14 =	vimm.s32 $0x1;
	v3 =	vld.idx.msk [tilespmem:v19+s3+$0x0], $0xffff;
	v41 =	vperm.xlane v37, v15;
	v47 =	vadd.s32 v21, v0  }
0x2be: {  	[tilespmem:$0x1FD50] =	vst v28;
	v20 =	vimm.s32 $0x0;
	v60 =	vlaneseq.u32;
	v5 =	vld.idx.msk [tilespmem:v43+s3+$0x0], $0xffff;
	v4 =	vperm.xlane v47, v14  }
0x2bf: {  	v22 =	vimm.s32 $0x3;
	v9 =	vld.idx.msk [tilespmem:v54+s3+$0x0], $0xffff;
	v17 =	vperm.xlane v47, v15;
	v28 =	vadd.s32 v60, v41;
	[tilespmem:$0x1FC40] =	vst v7;
	v7 =	vmovc v46  }
0x2c0: {  	v24 =	vimm.s32 $0x4;
	v52 =	vperm.xlane v47, v22;
	v42 =	vadd.s32 v60, v4;
	[tilespmem:$0x1FC70] =	vst v7;
	v7 =	vld.idx.msk [tilespmem:v61+s3+$0x0], $0xffff  }
0x2c1: {  	v49 =	vadd.s32 v13, v26;
	v10 =	vadd.s32 v60, v17;
	v46 =	vld.idx.msk [tilespmem:v45+s3+$0x0], $0xffff;
	v45 =	vperm.xlane v47, v20  }
0x2c2: {  	v23 =	vadd.s32 v13, v23;
	v2 =	vld.idx.msk [tilespmem:v33+s3+$0x0], $0xffff;
	v53 =	vperm.xlane v47, v24;
	v54 =	vadd.s32 v60, v52  }
0x2c3: {  	v1 =	vadd.bf16 v6, v1;
	v48 =	vperm.xlane v37, v20;
	v0 =	vld.idx.msk [tilespmem:v39+s3+$0x0], $0xffff;
	v32 =	vadd.s32 v60, v45  }
0x2c4: {  	v59 =	vadd.s32 v13, v25;
	v57 =	vadd.s32 v60, v53;
	v20 =	vperm.xlane v37, v14;
	v28 =	vld.idx.msk [tilespmem:v28+s3+$0x0], $0xffff  }
0x2c5: {  	[tilespmem:$0x1FC10] =	vst v31;
	v19 =	vmov v11;
	v11 =	vadd.s32 v62, v48;
	v25 =	vld.idx.msk [tilespmem:v42+s3+$0x0], $0xffff;
	v1 =	vadd.bf16 v7, v1  }
0x2c6: {  	v50 =	vadd.s32 v13, v34;
	[tilespmem:$0x1FCB0] =	vst v11;
	v11 =	vadd.s32 v62, v20;
	v10 =	vld.idx.msk [tilespmem:v10+s3+$0x0], $0xffff  }
0x2c7: {  	v44 =	vadd.s32 v13, v18;
	v22 =	vperm.xlane v37, v22;
	[tilespmem:$0x1FCC0] =	vst v11;
	v26 =	vld.idx.msk [tilespmem:v54+s3+$0x0], $0xffff;
	v15 =	vunpack.i.l.bf16.f32 v1  }
0x2c8: {  	v14 =	vimm.s32 $0x5;
	v11 =	vadd.s32 v62, v41;
	v21 =	vld.idx.msk [tilespmem:v32+s3+$0x0], $0xffff;
	v1 =	vunpack.i.u.bf16.f32 v1;
	[tilespmem:s30+$0x40] =	vst v15  }
0x2c9: {  	v31 =	vimm.s32 $0x6;
	v54 =	vadd.s32 v13, v63;
	v63 =	vperm.xlane v47, v14;
	v27 =	vld.idx.msk [tilespmem:v57+s3+$0x0], $0xffff;
	[tilespmem:s30+$0x50] =	vst v1  }
0x2ca: {  	v6 =	vperm.xlane v37, v31;
	v24 =	vperm.xlane v37, v24;
	v61 =	vmov v45;
	[tilespmem:$0x1FCD0] =	vst v11;
	v39 =	vld.idx.msk [tilespmem:v59+s3+$0x0], $0xffff  }
0x2cb: {  	v11 =	vadd.s32 v62, v22;
	v7 =	vperm.xlane v37, v14;
	v45 =	vadd.s32 v60, v63;
	v29 =	vld.idx.msk [tilespmem:v49+s3+$0x0], $0xffff  }
0x2cc: {  	v16 =	vmov v56;
	[tilespmem:$0x1FCE0] =	vst v11;
	v11 =	vadd.s32 v62, v24;
	v8 =	vadd.bf16 v8, v46;
	v23 =	vld.idx.msk [tilespmem:v23+s3+$0x0], $0xffff  }
0x2cd: {  	v51 =	vmovc v38;
	v46 =	vadd.s32 v13, v24;
	[tilespmem:$0x1FCF0] =	vst v11;
	v11 =	vadd.s32 v62, v7;
	v15 =	vimm.s32 $0x7;
	v32 =	vld.idx.msk [tilespmem:v50+s3+$0x0], $0xffff  }
0x2ce: {  	v1 =	vadd.s32 v13, v55;
	v55 =	vadd.s32 v13, v36;
	v36 =	vperm.xlane v47, v31;
	v38 =	vld.idx.msk [tilespmem:v54+s3+$0x0], $0xffff  }
0x2cf: {  	v34 =	vperm.xlane v37, v15;
	v31 =	vadd.s32 v60, v24;
	v18 =	vperm.xlane v47, v15;
	v56 =	vld.idx.msk [tilespmem:v44+s3+$0x0], $0xffff  }
0x2d0: {  	[tilespmem:$0x1FCA0] =	vst v30;
	v59 =	vimm.s32 $0x8;
	v57 =	vld.idx.msk [tilespmem:v45+s3+$0x0], $0xffff;
	v49 =	vmovc v58;
	v58 =	vadd.s32 v13, v19;
	v43 =	vadd.s32 v60, v36  }
0x2d1: {  	v19 =	vadd.s32 v12, v24;
	v24 =	vld.idx.msk [tilespmem:v16+s3+$0x0], $0xffff;
	v15 =	vperm.xlane v37, v59;
	v37 =	vadd.s32 v60, v18  }
0x2d2: {  	v40 =	vmov v4;
	v4 =	vadd.s32 v60, v48;
	[tilespmem:$0x1FD00] =	vst v11;
	v11 =	vadd.s32 v62, v6;
	v16 =	vld [tilespmem:$0x1FC00]  }
0x2d3: {  	v30 =	vadd.s32 v60, v22;
	[tilespmem:$0x1FD10] =	vst v11;
	v11 =	vadd.s32 v62, v34;
	v1 =	vld.idx.msk [tilespmem:v1+s3+$0x0], $0xffff  }
0x2d4: {  	v14 =	vadd.s32 v60, v7;
	[tilespmem:$0x1FD20] =	vst v11;
	v11 =	vadd.s32 v62, v15;
	v54 =	vld.idx.msk [tilespmem:v55+s3+$0x0], $0xffff  }
0x2d5: {  	[tilespmem:$0x1FD30] =	vst v11;
	v11 =	vperm.xlane v47, v59;
	v47 =	vld.idx.msk [tilespmem:v43+s3+$0x0], $0xffff  }
0x2d6: {  	v29 =	vadd.bf16 v29, v39;
	v23 =	vadd.bf16 v32, v23;
	v37 =	vld.idx.msk [tilespmem:v37+s3+$0x0], $0xffff  }
0x2d7: {  	v10 =	vadd.bf16 v26, v10;
	v59 =	vld.idx.msk [tilespmem:v4+s3+$0x0], $0xffff;
	v4 =	vadd.s32 v60, v11  }
0x2d8: {  	v21 =	vadd.bf16 v25, v21;
	v25 =	vld.idx.msk [tilespmem:v30+s3+$0x0], $0xffff;
	v23 =	vadd.bf16 v23, v29  }
0x2d9: {  	v33 =	vadd.s32 v60, v20;
	v14 =	vld.idx.msk [tilespmem:v14+s3+$0x0], $0xffff;
	v1 =	vadd.bf16 v38, v1;
	v38 =	vadd.bf16 v56, v54  }
0x2da: {  	[tilespmem:$0x1FC20] =	vst v0;
	v50 =	vmov v35;
	v0 =	vadd.s32 v60, v34;
	v32 =	vld.idx.msk [tilespmem:v58+s3+$0x0], $0xffff;
	v27 =	vadd.bf16 v57, v27  }
0x2db: {  	v35 =	vadd.s32 v60, v6;
	v31 =	vld.idx.msk [tilespmem:v31+s3+$0x0], $0xffff;
	v29 =	vadd.bf16 v38, v1;
	v37 =	vadd.bf16 v37, v47  }
0x2dc: {  	v45 =	vadd.s32 v12, v20;
	v10 =	vadd.bf16 v10, v21;
	v30 =	vld.idx.msk [tilespmem:v4+s3+$0x0], $0xffff  }
0x2dd: {  	v4 =	vadd.s32 v13, v20;
	v20 =	vadd.bf16 v29, v23;
	v21 =	vadd.bf16 v37, v27;
	v23 =	vmovc v17;
	v17 =	vld [tilespmem:$0x1FC10]  }
0x2de: {  	v3 =	vadd.bf16 v5, v3;
	v55 =	vadd.s32 v60, v15;
	v43 =	vadd.s32 v12, v22;
	v60 =	vld.idx.msk [tilespmem:v33+s3+$0x0], $0xffff  }
0x2df: {  	v47 =	vadd.s32 v13, v22;
	v22 =	vld.idx.msk [tilespmem:v0+s3+$0x0], $0xffff;
	v20 =	vadd.bf16 v32, v20;
	v10 =	vadd.bf16 v21, v10  }
0x2e0: {  	v2 =	vadd.bf16 v2, v9;
	v27 =	vld.idx.msk [tilespmem:v35+s3+$0x0], $0xffff  }
0x2e1: {  	v3 =	vadd.bf16 v3, v8;
	v9 =	vunpack.i.u.bf16.f32 v20;
	v0 =	vadd.bf16 v30, v10  }
0x2e2: {  	s28 =	smov.u32 s29;
	s29 =	smov.u32 s30;
	v8 =	vadd.bf16 v14, v31;
	v20 =	vunpack.i.l.bf16.f32 v20;
	[tilespmem:s30+$0x70] =	vst v9;
	v31 =	vadd.bf16 v16, v17;
	v16 =	vld [tilespmem:$0x1FC20]  }
0x2e3: {  	s30 =	sadd.s32 $0x100, s30;
	v14 =	vunpack.i.l.bf16.f32 v0;
	[tilespmem:s29+$0x60] =	vst v20;
	v20 =	vld [tilespmem:$0x1FDC0]  }
0x2e4: {  	v29 =	vadd.bf16 v60, v59;
	v21 =	vadd.bf16 v25, v28;
	[tilespmem:s30+$0x0] =	vst v14;
	v14 =	vadd.s32 v62, v52  }
0x2e5: {  	v22 =	vadd.bf16 v22, v27  }
0x2e6: {  	v9 =	vadd.bf16 v21, v29  }
0x2e7: {  	v0 =	vunpack.i.u.bf16.f32 v0;
	v8 =	vadd.bf16 v22, v8;
	v24 =	vadd.bf16 v24, v16;
	v16 =	vld [tilespmem:$0x1FC30]  }
0x2e8: {  	[tilespmem:s30+$0x10] =	vst v0  }
0x2e9: {  	v8 =	vadd.bf16 v8, v9;
	v9 =	vld.idx.msk [tilespmem:v14+s3+$0x0], $0xffff  }
0x2ea: {  	v14 =	vld [tilespmem:$0x1FC40]  }
0x2eb: {  	v20 =	vld.idx.msk [tilespmem:v20+s3+$0x0], $0xffff  }
0x2ec: {  	v31 =	vadd.bf16 v31, v16;
	v16 =	vld [tilespmem:$0x1FC50]  }
0x2ed: {  	v5 =	vld.idx.msk [tilespmem:v55+s3+$0x0], $0xffff;
	v30 =	vadd.s32 v62, v63  }
0x2ee: {  	v29 =	vld [tilespmem:$0x1FDD0]  }
0x2ef: {  	v10 =	vadd.s32 v62, v61  }
0x2f0: {  	v26 =	vadd.s32 v12, v15;
	v25 =	vld.idx.msk [tilespmem:v51+s3+$0x0], $0xffff;
	v21 =	vadd.s32 v62, v40  }
0x2f1: {  	v33 =	vadd.s32 v12, v7;
	v7 =	vadd.s32 v13, v7;
	v14 =	vadd.bf16 v20, v14;
	v20 =	vmovc v16;
	v16 =	vld [tilespmem:$0x1FC60]  }
0x2f2: {  	v15 =	vadd.s32 v13, v15;
	v60 =	vadd.s32 v62, v18;
	v37 =	vmov v7;
	v7 =	vld.idx.msk [tilespmem:v30+s3+$0x0], $0xffff  }
0x2f3: {  	v22 =	vadd.s32 v62, v36;
	v30 =	vmov v15;
	v15 =	vld [tilespmem:$0x1FCB0];
	v5 =	vadd.bf16 v5, v8  }
0x2f4: {  	v39 =	vadd.s32 v12, v6;
	v6 =	vadd.s32 v13, v6;
	v10 =	vld.idx.msk [tilespmem:v10+s3+$0x0], $0xffff;
	v2 =	vadd.bf16 v24, v2  }
0x2f5: {  	v35 =	vmov v6;
	v21 =	vld.idx.msk [tilespmem:v21+s3+$0x0], $0xffff;
	v6 =	vunpack.i.u.bf16.f32 v5;
	v5 =	vunpack.i.l.bf16.f32 v5  }
0x2f6: {  	v29 =	vld.idx.msk [tilespmem:v29+s3+$0x0], $0xffff;
	v2 =	vadd.bf16 v2, v3;
	v3 =	vmov v50;
	[tilespmem:s30+$0xFFFFFF80] =	vst v5  }
0x2f7: {  	v8 =	vld.idx.msk [tilespmem:v60+s3+$0x0], $0xffff;
	[tilespmem:$0x1FDD0] =	vst v3  }
0x2f8: {  	v0 =	vadd.s32 v62, v53;
	v3 =	vld.idx.msk [tilespmem:v22+s3+$0x0], $0xffff;
	[tilespmem:$0x1FDC0] =	vst v20  }
0x2f9: {  	v5 =	vadd.s32 v62, v11;
	v2 =	vadd.bf16 v25, v2;
	v20 =	vld.idx.msk [tilespmem:v16+s3+$0x0], $0xffff;
	[tilespmem:s30+$0xFFFFFF90] =	vst v6  }
0x2fa: {  	v22 =	vld.idx.msk [tilespmem:v49+s3+$0x0], $0xffff  }
0x2fb: {  	v6 =	vunpack.i.u.bf16.f32 v2;
	v2 =	vunpack.i.l.bf16.f32 v2;
	v15 =	vld.idx.msk [tilespmem:v15+s3+$0x0], $0xffff  }
0x2fc: {  	[tilespmem:s29+$0xFFFFFFC0] =	vst v2;
	v2 =	vld [tilespmem:$0x1FCC0]  }
0x2fd: {  	v0 =	vld.idx.msk [tilespmem:v0+s3+$0x0], $0xffff  }
0x2fe: {  	v28 =	vadd.s32 v62, v23;
	v10 =	vadd.bf16 v21, v10;
	v21 =	vld.idx.msk [tilespmem:v5+s3+$0x0], $0xffff  }
0x2ff: {  	v5 =	vld [tilespmem:$0x1FCE0]  }
0x300: {  	v3 =	vadd.bf16 v8, v3;
	v8 =	vld [tilespmem:$0x1FCF0];
	_ =	sdelay $0x2  }
0x301: {  	v28 =	vld.idx.msk [tilespmem:v28+s3+$0x0], $0xffff  }
0x302: {  	v0 =	vadd.bf16 v7, v0;
	v2 =	vld.idx.msk [tilespmem:v2+s3+$0x0], $0xffff;
	_ =	sdelay $0x1  }
0x303: {  	v0 =	vadd.bf16 v3, v0;
	v3 =	vld [tilespmem:$0x1FD00];
	[tilespmem:s29+$0xFFFFFFD0] =	vst v6  }
0x304: {  	v7 =	vld.idx.msk [tilespmem:v5+s3+$0x0], $0xffff  }
0x305: {  	v9 =	vadd.bf16 v9, v28;
	v5 =	vadd.bf16 v20, v29;
	v20 =	vld.idx.msk [tilespmem:v8+s3+$0x0], $0xffff  }
0x306: {  	v8 =	vadd.bf16 v2, v15;
	v2 =	vld [tilespmem:$0x1FD20]  }
0x307: {  	v10 =	vadd.bf16 v9, v10  }
0x308: {  	v6 =	vld [tilespmem:$0x1FCD0]  }
0x309: {  	v0 =	vadd.bf16 v0, v10;
	_ =	sdelay $0x1  }
0x30a: {  	v10 =	vadd.bf16 v21, v0;
	v0 =	vld [tilespmem:$0x1FD40]  }
0x30b: {  	v24 =	vld.idx.msk [tilespmem:v3+s3+$0x0], $0xffff  }
0x30c: {  	v3 =	vadd.bf16 v5, v14;
	v5 =	vld [tilespmem:$0x1FD10]  }
0x30d: {  	v49 =	vld.idx.msk [tilespmem:v2+s3+$0x0], $0xffff  }
0x30e: {  	v2 =	vadd.bf16 v3, v31;
	v3 =	vld [tilespmem:$0x1FD30]  }
0x30f: {  	v6 =	vld.idx.msk [tilespmem:v6+s3+$0x0], $0xffff;
	_ =	sdelay $0x3  }
0x310: {  	v58 =	vadd.s32 v12, v34;
	v17 =	vld [tilespmem:$0x1FC80]  }
0x311: {  	v27 =	vadd.s32 v13, v34;
	v34 =	vmovc v52;
	v9 =	vld.idx.msk [tilespmem:v5+s3+$0x0], $0xffff;
	v52 =	vadd.bf16 v7, v6;
	v7 =	vunpack.i.l.bf16.f32 v10  }
0x312: {  	[tilespmem:s30+$0x20] =	vst v7;
	v7 =	vld [tilespmem:$0x1FD60]  }
0x313: {  	v5 =	vld.idx.msk [tilespmem:v3+s3+$0x0], $0xffff  }
0x314: {  	v3 =	vld.idx.msk [tilespmem:v0+s3+$0x0], $0xffff  }
0x315: {  	v0 =	vadd.bf16 v22, v2;
	v2 =	vld [tilespmem:$0x1FD50];
	_ =	sdelay $0x1  }
0x316: {  	s1 =	sadd.s32 $0x2, s1;
	v44 =	vadd.s32 v12, v41;
	v59 =	vmov v17;
	v17 =	vld [tilespmem:$0x1FCA0]  }
0x317: {  	p0 =	slt.u32 s1, $0x7E  }
.Ltmp3:
0x318: {  	v42 =	vadd.s32 v12, v48;
	v55 =	vmov v53;
	v56 =	vmov v58;
	(pc) =	sbr.rel @p0 .LBB2_5-.Ltmp3, $4  }
0x319: {  	v54 =	vmovc v19;
	v19 =	vmovc v44;
	v44 =	vmov v45;
	v1 =	vadd.s32 v13, v48;
	v48 =	vadd.s32 v13, v41;
	v60 =	vld [tilespmem:$0x1FC90]  }
0x31a: {  	v45 =	vmovc v42;
	v38 =	vmovc v26;
	v26 =	vmov v40;
	v51 =	vadd.s32 v12, v23;
	v50 =	vadd.s32 v12, v61;
	v16 =	vld [tilespmem:$0x1FC70]  }
0x31b: {  	v32 =	vmovc v27;
	v58 =	vmovc v17;
	v25 =	vmov v61;
	v28 =	vmov v4;
	v4 =	vadd.s32 v12, v34;
	v31 =	vld.idx.msk [tilespmem:v7+s3+$0x0], $0xffff  }
0x31c: {  	s14 =	sadd.s32 $0x12, s14;
	v53 =	vunpack.i.u.bf16.f32 v10;
	v29 =	vmovc v1;
	v1 =	vadd.bf16 v24, v20;
	v6 =	vadd.s32 v12, v40;
	v2 =	vld.idx.msk [tilespmem:v2+s3+$0x0], $0xffff  }
0x31d: {  	_ =	sdelay $0x2  }
0x31e: {  	v27 =	vld [tilespmem:$0x1FFF0];
	[tilespmem:s30+$0x30] =	vst v53;
	v7 =	vadd.s32 v12, v55  }
0x31f: {  	v14 =	vadd.s32 v12, v63;
	v10 =	vld.idx.msk [tilespmem:v50+s3+$0x0], $0xffff  }
0x320: {  	v15 =	vadd.s32 v12, v36;
	v6 =	vld.idx.msk [tilespmem:v6+s3+$0x0], $0xffff  }
0x321: {  	v20 =	vadd.s32 v12, v18;
	v61 =	vld.idx.msk [tilespmem:v51+s3+$0x0], $0xffff  }
0x322: {  	v9 =	vadd.bf16 v49, v9;
	v4 =	vld.idx.msk [tilespmem:v4+s3+$0x0], $0xffff  }
0x323: {  	v7 =	vld.idx.msk [tilespmem:v7+s3+$0x0], $0xffff  }
0x324: {  	v8 =	vadd.bf16 v52, v8;
	v1 =	vadd.bf16 v9, v1;
	v40 =	vld.idx.msk [tilespmem:v14+s3+$0x0], $0xffff  }
0x325: {  	v41 =	vld.idx.msk [tilespmem:v15+s3+$0x0], $0xffff  }
0x326: {  	v1 =	vadd.bf16 v1, v8;
	v14 =	vld.idx.msk [tilespmem:v20+s3+$0x0], $0xffff  }
0x327: {  	v42 =	vadd.s32 v12, v11  }
0x328: {  	v1 =	vadd.bf16 v5, v1;
	_ =	sdelay $0x1  }
0x329: {  	v6 =	vadd.bf16 v6, v10;
	v4 =	vadd.bf16 v4, v61;
	v15 =	vunpack.i.l.bf16.f32 v1  }
0x32a: {  	v22 =	vld.idx.msk [tilespmem:v60+s3+$0x0], $0xffff;
	v1 =	vunpack.i.u.bf16.f32 v1;
	[tilespmem:s30+$0xFFFFFFA0] =	vst v15;
	v7 =	vadd.bf16 v40, v7;
	v5 =	vadd.bf16 v14, v41  }
0x32b: {  	v49 =	vld.idx.msk [tilespmem:v42+s3+$0x0], $0xffff;
	[tilespmem:s30+$0xFFFFFFB0] =	vst v1  }
0x32c: {  	v4 =	vadd.bf16 v4, v6;
	v14 =	vld.idx.msk [tilespmem:v39+s3+$0x0], $0xffff;
	v5 =	vadd.bf16 v5, v7  }
0x32d: {  	v56 =	vld.idx.msk [tilespmem:v56+s3+$0x0], $0xffff  }
0x32e: {  	v1 =	vld.idx.msk [tilespmem:v45+s3+$0x0], $0xffff;
	v4 =	vadd.bf16 v5, v4  }
0x32f: {  	v45 =	vld.idx.msk [tilespmem:v44+s3+$0x0], $0xffff  }
0x330: {  	v15 =	vadd.s32 v13, v26;
	v50 =	vld.idx.msk [tilespmem:v19+s3+$0x0], $0xffff;
	v4 =	vadd.bf16 v49, v4  }
0x331: {  	v51 =	vld.idx.msk [tilespmem:v43+s3+$0x0], $0xffff  }
0x332: {  	v53 =	vld.idx.msk [tilespmem:v33+s3+$0x0], $0xffff;
	v33 =	vadd.bf16 v56, v14;
	v14 =	vadd.s32 v13, v36;
	v21 =	vunpack.i.l.bf16.f32 v4  }
0x333: {  	v52 =	vld.idx.msk [tilespmem:v54+s3+$0x0], $0xffff;
	v4 =	vunpack.i.u.bf16.f32 v4;
	[tilespmem:s30+$0x40] =	vst v21  }
0x334: {  	v57 =	vld.idx.msk [tilespmem:v16+s3+$0x0], $0xffff;
	[tilespmem:s30+$0x50] =	vst v4  }
0x335: {  	v61 =	vadd.s32 v13, v63;
	v54 =	vadd.s32 v13, v25;
	v63 =	vld.idx.msk [tilespmem:v15+s3+$0x0], $0xffff  }
0x336: {  	v23 =	vadd.s32 v13, v23;
	v15 =	vld.idx.msk [tilespmem:v38+s3+$0x0], $0xffff  }
0x337: {  	v24 =	vadd.s32 v13, v34;
	v1 =	vadd.bf16 v45, v1;
	v39 =	vld.idx.msk [tilespmem:v14+s3+$0x0], $0xffff  }
0x338: {  	v60 =	vadd.s32 v13, v55;
	v6 =	vadd.bf16 v51, v50;
	v5 =	vadd.bf16 v53, v52;
	v14 =	vld [tilespmem:$0x1FDC0]  }
0x339: {  	v41 =	vld [tilespmem:$0x1FDD0]  }
0x33a: {  	v17 =	vadd.s32 v13, v18;
	v1 =	vadd.bf16 v6, v1;
	v5 =	vadd.bf16 v33, v5;
	v8 =	vld.idx.msk [tilespmem:v54+s3+$0x0], $0xffff  }
0x33b: {  	v34 =	vld.idx.msk [tilespmem:v23+s3+$0x0], $0xffff  }
0x33c: {  	v1 =	vadd.bf16 v5, v1;
	v36 =	vld.idx.msk [tilespmem:v24+s3+$0x0], $0xffff  }
0x33d: {  	v4 =	vld.idx.msk [tilespmem:v60+s3+$0x0], $0xffff  }
0x33e: {  	v38 =	vld.idx.msk [tilespmem:v61+s3+$0x0], $0xffff;
	v1 =	vadd.bf16 v15, v1  }
0x33f: {  	v40 =	vld.idx.msk [tilespmem:v17+s3+$0x0], $0xffff  }
0x340: {  	v15 =	vunpack.i.l.bf16.f32 v1;
	v14 =	vld.idx.msk [tilespmem:v14+s3+$0x0], $0xffff  }
0x341: {  	v1 =	vunpack.i.u.bf16.f32 v1;
	v17 =	vld.idx.msk [tilespmem:v41+s3+$0x0], $0xffff;
	[tilespmem:s30+$0xFFFFFFC0] =	vst v15  }
0x342: {  	v15 =	vld.idx.msk [tilespmem:v59+s3+$0x0], $0xffff;
	[tilespmem:s30+$0xFFFFFFD0] =	vst v1  }
0x343: {  	v1 =	vld.idx.msk [tilespmem:v29+s3+$0x0], $0xffff  }
0x344: {  	v42 =	vld.idx.msk [tilespmem:v28+s3+$0x0], $0xffff  }
0x345: {  	v43 =	vld.idx.msk [tilespmem:v48+s3+$0x0], $0xffff  }
0x346: {  	v45 =	vld.idx.msk [tilespmem:v47+s3+$0x0], $0xffff  }
0x347: {  	v44 =	vadd.s32 v13, v11;
	v47 =	vld.idx.msk [tilespmem:v46+s3+$0x0], $0xffff  }
0x348: {  	v2 =	vadd.bf16 v2, v3;
	v52 =	vadd.bf16 v22, v31;
	v49 =	vld.idx.msk [tilespmem:v37+s3+$0x0], $0xffff  }
0x349: {  	v8 =	vadd.bf16 v63, v8;
	v6 =	vadd.bf16 v36, v34;
	v51 =	vld.idx.msk [tilespmem:v35+s3+$0x0], $0xffff  }
0x34a: {  	v4 =	vadd.bf16 v38, v4;
	v48 =	vadd.bf16 v40, v39;
	v53 =	vld.idx.msk [tilespmem:v32+s3+$0x0], $0xffff  }
0x34b: {  	v2 =	vadd.bf16 v52, v2  }
0x34c: {  	v54 =	vld.idx.msk [tilespmem:v44+s3+$0x0], $0xffff;
	v50 =	vadd.bf16 v6, v8;
	v4 =	vadd.bf16 v48, v4  }
0x34d: {  	v14 =	vadd.bf16 v14, v57;
	v15 =	vadd.bf16 v15, v17  }
0x34e: {  	v3 =	vadd.bf16 v4, v50;
	v1 =	vadd.bf16 v42, v1  }
0x34f: {  	v56 =	vld.idx.msk [tilespmem:v58+s3+$0x0], $0xffff;
	v7 =	vadd.bf16 v49, v47;
	v6 =	vadd.bf16 v53, v51  }
0x350: {  	v55 =	vadd.bf16 v15, v14;
	v14 =	vadd.bf16 v45, v43  }
0x351: {  	v57 =	vld.idx.msk [tilespmem:v30+s3+$0x0], $0xffff;
	v3 =	vadd.bf16 v54, v3;
	v6 =	vadd.bf16 v6, v7  }
0x352: {  	v58 =	vunpack.i.u.bf16.f32 v0;
	v2 =	vadd.bf16 v55, v2;
	v1 =	vadd.bf16 v14, v1  }
0x353: {  	[tilespmem:s28+$0xFFFFFFF0] =	vst v58;
	v59 =	vunpack.i.l.bf16.f32 v0  }
0x354: {  	[tilespmem:s28+$0xFFFFFFE0] =	vst v59;
	v60 =	vunpack.i.u.bf16.f32 v3;
	v2 =	vadd.bf16 v56, v2;
	v1 =	vadd.bf16 v6, v1  }
0x355: {  	v3 =	vunpack.i.l.bf16.f32 v3;
	[tilespmem:s30+$0x70] =	vst v60  }
0x356: {  	[tilespmem:s30+$0x60] =	vst v3;
	v61 =	vunpack.i.u.bf16.f32 v2;
	v1 =	vadd.bf16 v57, v1  }
.Ltmp4:
0x357: {  	v2 =	vunpack.i.l.bf16.f32 v2;
	[tilespmem:s29+$0xFFFFFFF0] =	vst v61;
	(pc) =	sbr.rel @p1 .LBB2_8-.Ltmp4, $4  }
0x358: {  	[tilespmem:s29+$0xFFFFFFE0] =	vst v2;
	v63 =	vunpack.i.u.bf16.f32 v1  }
0x359: {  	s0 =	sshll.u32 s0, $0x4;
	v1 =	vunpack.i.l.bf16.f32 v1;
	[tilespmem:s30+$0xFFFFFFF0] =	vst v63  }
0x35a: {  	s0 =	sadd.s32 s2, s0;
	[tilespmem:s30+$0xFFFFFFE0] =	vst v1  }
0x35b: {  	[hbm4b:s0+s3] =	stream.linear.scatter [tilespmem:s19], [sflag:$0x4], $0x4000, $0x38;
	[tilespmem:$0x16B00] =	vst v63  }
.Ltmp5:
0x35c: {  	s0 =	smin.u32 s26, $0xA35;
	(pc) =	sbr.rel .LBB2_2-.Ltmp5, $4  }
0x35d: {  	v1 =	vimm.s32 $0x0;
	s0 =	sadd.s32 s0, s10  }
0x35e: {  	s25 =	sadd.s32 $0x1, s25;
	v7 =	vimm.s32 $0x6;
	v2 =	vimm.s32 $0x1;
	v3 =	vimm.s32 $0x2;
	s1 =	sshrl.u32 s0, $0x3;
	s0 =	sadd.s32 s4, s0  }
0x35f: {  	s24 =	sadd.s32 $0x100, s24;
	s23 =	sadd.s32 $0x100, s23;
	v4 =	vimm.s32 $0x3;
	v5 =	vimm.s32 $0x4;
	v6 =	vimm.s32 $0x5;
	s0 =	sadd.s32 s1, s0  }
0x360: {  	v8 =	vimm.s32 $0x7;
	v10 =	vimm.s32 $0x8;
	v9 =	vlaneseq.u32;
	[tilespmem:s15], [sflag:$0x2] =	stream.linear.gather [hbm4b:s0+s3], $0x498, $0x38;
	[tilespmem:$0x16B00] =	vst v63  }
.LBB2_9:
0x361: {  	_ =	sfence.sel $0x180000  }
0x362: {  	[bflag:$0x0] =	sbarrier.arrive $0xFFFF  }
0x363: {  	_ =	strace $0x90000047  }
0x364: {  	s0 =	stileid.u32;
	[bflag:$0x2] =	sbarrier.arrive $0xFFFF  }
0x365: {  	p0 =	sne.s32 s0, $0x0;
	s0 =	rddreg [dreg:$0x2]  }
0x366: {  	s0 =	sadd.s32 @!p0 $0x100000, s0  }
0x367: {  	[sflag:s0] =	ssyncadd.tile.s32 @!p0 $0x1;
	_ =	shalt  }
.Lfunc_end2:
_tile_overlayer_lowered:
.L_overlay_start_2:
0x368: {  	(tag) =	ssettag $0x2  }
0x369: {  	s0 =	rddreg [dreg:$0x0];
	s2 =	stileid.u32  }
0x36a: {  	s1 =	rddreg [dreg:$0x1];
	p0 =	sne.s32 s2, $0x0  }
0x36b: {  	s3 =	rddreg [dreg:$0x2];
	[bflag:$0x3] =	sbarrier.arrive $0xFFFF;
	s2 =	simm.s32 @!p0 $0x1C05  }
0x36c: {  	[timem:s3], [sflag:s2] =	dma.local @!p0 [hbm:s0], s1  }
0x36d: {  	s0 =	simm.s32 @!p0 $0x5  }
0x36e: {  	_ =	swait.ge @!p0 [sflag:s0], s1  }
0x36f: {  	s1 =	ssub.s32 @!p0 $0x0, s1;
	[sflag:s0] =	ssyncset.done @!p0 $0x0  }
0x370: {  	[sflag:s0] =	ssyncadd.s32 @!p0 s1  }
0x371: {  	[bflag:$0x3] =	sbarrier.arrive $0xFFFF  }
0x372: {  	_ =	shalt  }

</sc_bundles>
